<compile_context>
chip_gen: v7x
topology: tpu7x:2x2x1
jax: 0.10.2.dev20260603
libtpu: 0.0.44.dev20260713+nightly
codegen_flags: <defaults>
</compile_context>

<pallas_src>
import functools

import jax
import jax.numpy as jnp
from jax import lax
from jax.experimental import pallas as pl
from jax.experimental.pallas import tpu as pltpu
from jax.experimental.pallas import tpu_sc as plsc

_ROWS = 5000
_C = 81
_W = 384
_RPW = 160
_MAIN = 4992

_mesh = plsc.VectorSubcoreMesh(core_axis_name="c", subcore_axis_name="s")


@functools.partial(
    pl.kernel,
    mesh=_mesh,
    out_type=[
        jax.ShapeDtypeStruct((_ROWS,), jnp.float32),
        jax.ShapeDtypeStruct((_ROWS,), jnp.int32),
    ],
    scratch_types=[
        pltpu.VMEM((_C, _W), jnp.float32),
        pltpu.VMEM((_W,), jnp.float32),
        pltpu.VMEM((_W,), jnp.int32),
        pltpu.VMEM((8,), jnp.float32),
        pltpu.VMEM((8,), jnp.int32),
    ],
    compiler_params=pltpu.CompilerParams(
        needs_layout_passes=False, skip_device_barrier=True),
)
def _post_process(xt_hbm, tsc_hbm, tlb_hbm, sc_hbm, lb_hbm,
                  xt_v, sc_v, lb_v, tsc_v, tlb_v):
    w = lax.axis_index("s") * 2 + lax.axis_index("c")
    wb = lax.div(w * (_MAIN - _RPW), 31)
    wb = lax.shift_left(lax.shift_right_logical(wb, 4), 4)
    wb = pl.multiple_of(wb, 16)
    dma = lax.min(
        lax.shift_left(lax.shift_right_logical(wb, 7), 7), _MAIN - _W)
    dma = pl.multiple_of(dma, 128)
    lo = pl.multiple_of(wb - dma, 16)
    pltpu.sync_copy(xt_hbm.at[:, pl.ds(dma, _W)], xt_v)

    @plsc.parallel_loop(lo, lo + _RPW, 16)
    def _group(col):

        def load(c):
            return xt_v[c, pl.ds(col, 16)]

        v0 = load(0)
        s0 = jnp.exp(v0)
        fm, am, ss = [], [], []
        for t in range(4):
            v = load(1 + 20 * t)
            fm.append(v)
            am.append(jnp.full((16,), 1 + 20 * t, jnp.int32))
            ss.append(jnp.exp(v))

        def body(j, carry):
            fm0, fm1, fm2, fm3, am0, am1, am2, am3, s0_, s1, s2, s3 = carry
            res = []
            for t, (fm_t, am_t, s_t) in enumerate(
                    ((fm0, am0, s0_), (fm1, am1, s1),
                     (fm2, am2, s2), (fm3, am3, s3))):
                c = 1 + 20 * t + j
                v = load(c)
                s_t = s_t + jnp.exp(v)
                gt = v > fm_t
                fm_t = jnp.where(gt, v, fm_t)
                am_t = jnp.where(gt, c, am_t)
                res.append((fm_t, am_t, s_t))
            return (res[0][0], res[1][0], res[2][0], res[3][0],
                    res[0][1], res[1][1], res[2][1], res[3][1],
                    res[0][2], res[1][2], res[2][2], res[3][2])

        out = lax.fori_loop(
            1, 20, body,
            (fm[0], fm[1], fm[2], fm[3],
             am[0], am[1], am[2], am[3],
             ss[0], ss[1], ss[2], ss[3]),
            unroll=2)
        fm = list(out[0:4])
        am = list(out[4:8])
        ss = list(out[8:12])

        def merge(a, b):
            gt = b[0] > a[0]
            return (jnp.where(gt, b[0], a[0]),
                    jnp.where(gt, b[1], a[1]))

        m01 = merge((fm[0], am[0]), (fm[1], am[1]))
        m23 = merge((fm[2], am[2]), (fm[3], am[3]))
        fg_m, fg_am = merge(m01, m23)
        s = s0 + ((ss[0] + ss[1]) + (ss[2] + ss[3]))
        sc_v[pl.ds(col, 16)] = jnp.exp(fg_m) / s
        lb_v[pl.ds(col, 16)] = fg_am

    pltpu.sync_copy(sc_v.at[pl.ds(lo, _RPW)], sc_hbm.at[pl.ds(wb, _RPW)])
    pltpu.sync_copy(lb_v.at[pl.ds(lo, _RPW)], lb_hbm.at[pl.ds(wb, _RPW)])

    @pl.when(w == 31)
    def _tail():
        pltpu.sync_copy(tsc_hbm, tsc_v)
        pltpu.sync_copy(tlb_hbm, tlb_v)
        pltpu.sync_copy(tsc_v, sc_hbm.at[pl.ds(_MAIN, 8)])
        pltpu.sync_copy(tlb_v, lb_hbm.at[pl.ds(_MAIN, 8)])


def kernel(x, boxes):
    tail = jax.nn.softmax(x[_MAIN:, :], axis=-1)[:, 1:]
    t_sc = jnp.max(tail, axis=1)
    t_lb = (jnp.argmax(tail, axis=1) + 1).astype(jnp.int32)
    scores, labels = _post_process(x.T, t_sc, t_lb)
    return (boxes, scores, labels.astype(jnp.int64))

# --- scband reference (transcript-rebuilt; emitter-appended) ---
"""Pipeline reference for scband-pred-post-processor-79886391706043 (READ-ONLY COPY).

The authoritative reference and input builder live on the scoring server;
editing this copy changes nothing except your own understanding.
"""

import jax, jax.numpy as jnp
import numpy as np


def setup_inputs(seed: int = 0) -> dict:
    key = jax.random.key(seed)
    k1, k2 = jax.random.split(key)
    x = jax.random.normal(k1, (5000, 81), dtype=jnp.float32)
    boxes = jax.random.uniform(k2, (5000, 4), dtype=jnp.float32) * 512.0
    return {"x": x, "boxes": boxes}


def reference(x, boxes):
    # Single-image equivalent of PredPostProcessor.forward.
    # class_prob = softmax(logits); per-row max over foreground classes [1:]
    # gives pred_scores; (argmax + 1) gives pred_labels. The torch per-class
    # loop with scatter writes `pred_scores[inds] = scores[inds][:, j]` where
    # j == argmax row-wise, which is exactly the row-wise max over classes 1:.
    class_prob = jax.nn.softmax(x, axis=-1)
    fg = class_prob[:, 1:]
    val = jnp.max(fg, axis=1)
    argmax = jnp.argmax(fg, axis=1) + 1
    pred_scores = val
    pred_labels = argmax.astype(jnp.int64)
    # boxes pass through with attached fields (scores, labels)
    return (boxes, pred_scores, pred_labels)

if __name__ == "__main__":
    import jax
    _d = setup_inputs()
    print(jax.jit(kernel)(*tuple(_d.values())))

</pallas_src>

<mosaic_0001>
#map = affine_map<(d0, d1) -> (0, 0)>
#map1 = affine_map<(d0, d1) -> (0)>
module attributes {stable_mosaic.version = 14 : i64} {
  func.func @_post_process(%arg0: i32, %arg1: i32, %arg2: memref<81x5000xf32, #tpu.memory_space<hbm>>, %arg3: memref<8xf32, #tpu.memory_space<hbm>>, %arg4: memref<8xi32, #tpu.memory_space<hbm>>, %arg5: memref<5000xf32, #tpu.memory_space<hbm>>, %arg6: memref<5000xi32, #tpu.memory_space<hbm>>, %arg7: memref<81x384xf32, #tpu.memory_space<vmem>>, %arg8: memref<384xf32, #tpu.memory_space<vmem>>, %arg9: memref<384xi32, #tpu.memory_space<vmem>>, %arg10: memref<8xf32, #tpu.memory_space<vmem>>, %arg11: memref<8xi32, #tpu.memory_space<vmem>>) attributes {dimension_semantics = [#tpu.dimension_semantics<core_parallel>, #tpu.dimension_semantics<subcore_parallel>], iteration_bounds = array<i64: 2, 16>, scalar_prefetch = 0 : i64, scratch_operands = 5 : i64, tpu.core_type = #tpu.core_type<sc_vector_subcore>, window_params = [{transform_indices = #map}, {transform_indices = #map1}, {transform_indices = #map1}, {transform_indices = #map1}, {transform_indices = #map1}]} {
    %mul3A = arith.constant 2 : i32
    %mul3A_0 = arith.muli %arg1, %mul3A : i32
    %add3A = arith.addi %mul3A_0, %arg0 : i32
    %mul3A_1 = arith.constant 4832 : i32
    %mul3A_2 = arith.muli %add3A, %mul3A_1 : i32
    %div3A = arith.constant 31 : i32
    %div3A_3 = arith.divsi %mul3A_2, %div3A : i32
    %shift_right_logical3A = arith.constant 4 : i32
    %shift_right_logical3A_4 = arith.shrui %div3A_3, %shift_right_logical3A : i32
    %shift_left3A = arith.constant 4 : i32
    %shift_left3A_5 = arith.shli %shift_right_logical3A_4, %shift_left3A : i32
    %multiple_of3A = tpu.assume_multiple %shift_left3A_5, 16 : i32
    %shift_right_logical3A_6 = arith.constant 7 : i32
    %shift_right_logical3A_7 = arith.shrui %multiple_of3A, %shift_right_logical3A_6 : i32
    %shift_left3A_8 = arith.constant 7 : i32
    %shift_left3A_9 = arith.shli %shift_right_logical3A_7, %shift_left3A_8 : i32
    %min3A = arith.constant 4608 : i32
    %min3A_10 = arith.minsi %shift_left3A_9, %min3A : i32
    %multiple_of3A_11 = tpu.assume_multiple %min3A_10, 128 : i32
    %sub3A = arith.subi %multiple_of3A, %multiple_of3A_11 : i32
    %multiple_of3A_12 = tpu.assume_multiple %sub3A, 16 : i32
    "tpu.region"() ({
      %run_scoped3A = tpu.sem_alloc : memref<!tpu.dma_semaphore, #tpu.memory_space<semaphore_mem>>
      %dma_start3A = arith.constant 0 : i32
      %dma_start3A_17 = tpu.memref_slice %arg2[%dma_start3A, %multiple_of3A_11] : memref<81x5000xf32, #tpu.memory_space<hbm>> -> memref<81x384xf32, #tpu.memory_space<hbm>>
      %dma_start3A_18 = arith.constant 0 : i32
      %dma_start3A_19 = tpu.memref_slice %arg2[%dma_start3A_18, %multiple_of3A_11] : memref<81x5000xf32, #tpu.memory_space<hbm>> -> memref<81x384xf32, #tpu.memory_space<hbm>>
      tpu.enqueue_dma source(%dma_start3A_19 : memref<81x384xf32, #tpu.memory_space<hbm>>) target(%arg7 : memref<81x384xf32, #tpu.memory_space<vmem>>) target_semaphore(%run_scoped3A : memref<!tpu.dma_semaphore, #tpu.memory_space<semaphore_mem>>)
      %dma_wait3A = arith.constant 0 : i32
      %dma_wait3A_20 = tpu.memref_slice %arg2[%dma_wait3A, %multiple_of3A_11] : memref<81x5000xf32, #tpu.memory_space<hbm>> -> memref<81x384xf32, #tpu.memory_space<hbm>>
      %dma_wait3A_21 = arith.constant 0 : i32
      %dma_wait3A_22 = tpu.memref_slice %arg2[%dma_wait3A_21, %multiple_of3A_11] : memref<81x5000xf32, #tpu.memory_space<hbm>> -> memref<81x384xf32, #tpu.memory_space<hbm>>
      tpu.wait_dma2 semaphore(%run_scoped3A : memref<!tpu.dma_semaphore, #tpu.memory_space<semaphore_mem>>) src(%dma_wait3A_22 : memref<81x384xf32, #tpu.memory_space<hbm>>) dst(%arg7 : memref<81x384xf32, #tpu.memory_space<vmem>>)
      tpu.yield
    }) : () -> ()
    %add3A_13 = arith.constant 160 : i32
    %add3A_14 = arith.addi %multiple_of3A_12, %add3A_13 : i32
    %parallel_loop3A = arith.constant 16 : i32
    scf.for %parallel_loop3A_17 = %multiple_of3A_12 to %add3A_14 step %parallel_loop3A  : i32 {
      %parallel_loop3A_18 = arith.constant 0 : i32
      %parallel_loop3A_19 = arith.index_cast %parallel_loop3A_18 : i32 to index
      %parallel_loop3A_20 = arith.index_cast %parallel_loop3A_17 : i32 to index
      %parallel_loop3A_21 = tpu.vector_load %arg7[%parallel_loop3A_19, %parallel_loop3A_20] {strides = array<i32>} : memref<81x384xf32, #tpu.memory_space<vmem>>, vector<16xf32>,
      %parallel_loop3A_22 = math.exp %parallel_loop3A_21 : vector<16xf32>
      %parallel_loop3A_23 = arith.constant 1 : i32
      %parallel_loop3A_24 = arith.index_cast %parallel_loop3A_23 : i32 to index
      %parallel_loop3A_25 = arith.index_cast %parallel_loop3A_17 : i32 to index
      %parallel_loop3A_26 = tpu.vector_load %arg7[%parallel_loop3A_24, %parallel_loop3A_25] {strides = array<i32>} : memref<81x384xf32, #tpu.memory_space<vmem>>, vector<16xf32>,
      %parallel_loop3A_27 = arith.constant 1 : i32
      %parallel_loop3A_28 = vector.broadcast %parallel_loop3A_27 : i32 to vector<16xi32>
      %parallel_loop3A_29 = math.exp %parallel_loop3A_26 : vector<16xf32>
      %parallel_loop3A_30 = arith.constant 21 : i32
      %parallel_loop3A_31 = arith.index_cast %parallel_loop3A_30 : i32 to index
      %parallel_loop3A_32 = arith.index_cast %parallel_loop3A_17 : i32 to index
      %parallel_loop3A_33 = tpu.vector_load %arg7[%parallel_loop3A_31, %parallel_loop3A_32] {strides = array<i32>} : memref<81x384xf32, #tpu.memory_space<vmem>>, vector<16xf32>,
      %parallel_loop3A_34 = arith.constant 21 : i32
      %parallel_loop3A_35 = vector.broadcast %parallel_loop3A_34 : i32 to vector<16xi32>
      %parallel_loop3A_36 = math.exp %parallel_loop3A_33 : vector<16xf32>
      %parallel_loop3A_37 = arith.constant 41 : i32
      %parallel_loop3A_38 = arith.index_cast %parallel_loop3A_37 : i32 to index
      %parallel_loop3A_39 = arith.index_cast %parallel_loop3A_17 : i32 to index
      %parallel_loop3A_40 = tpu.vector_load %arg7[%parallel_loop3A_38, %parallel_loop3A_39] {strides = array<i32>} : memref<81x384xf32, #tpu.memory_space<vmem>>, vector<16xf32>,
      %parallel_loop3A_41 = arith.constant 41 : i32
      %parallel_loop3A_42 = vector.broadcast %parallel_loop3A_41 : i32 to vector<16xi32>
      %parallel_loop3A_43 = math.exp %parallel_loop3A_40 : vector<16xf32>
      %parallel_loop3A_44 = arith.constant 61 : i32
      %parallel_loop3A_45 = arith.index_cast %parallel_loop3A_44 : i32 to index
      %parallel_loop3A_46 = arith.index_cast %parallel_loop3A_17 : i32 to index
      %parallel_loop3A_47 = tpu.vector_load %arg7[%parallel_loop3A_45, %parallel_loop3A_46] {strides = array<i32>} : memref<81x384xf32, #tpu.memory_space<vmem>>, vector<16xf32>,
      %parallel_loop3A_48 = arith.constant 61 : i32
      %parallel_loop3A_49 = vector.broadcast %parallel_loop3A_48 : i32 to vector<16xi32>
      %parallel_loop3A_50 = math.exp %parallel_loop3A_47 : vector<16xf32>
      %parallel_loop3A_51 = arith.constant 1 : i32
      %parallel_loop3A_52 = arith.constant 18 : i32
      %parallel_loop3A_53 = arith.addi %parallel_loop3A_51, %parallel_loop3A_52 : i32
      %parallel_loop3A_54 = arith.constant 2 : i32
      %parallel_loop3A_55:12 = scf.for %scan3A = %parallel_loop3A_51 to %parallel_loop3A_53 step %parallel_loop3A_54 iter_args(%scan3A_122 = %parallel_loop3A_26, %scan3A_123 = %parallel_loop3A_33, %scan3A_124 = %parallel_loop3A_40, %scan3A_125 = %parallel_loop3A_47, %scan3A_126 = %parallel_loop3A_28, %scan3A_127 = %parallel_loop3A_35, %scan3A_128 = %parallel_loop3A_42, %scan3A_129 = %parallel_loop3A_49, %scan3A_130 = %parallel_loop3A_29, %scan3A_131 = %parallel_loop3A_36, %scan3A_132 = %parallel_loop3A_43, %scan3A_133 = %parallel_loop3A_50) -> (vector<16xf32>, vector<16xf32>, vector<16xf32>, vector<16xf32>, vector<16xi32>, vector<16xi32>, vector<16xi32>, vector<16xi32>, vector<16xf32>, vector<16xf32>, vector<16xf32>, vector<16xf32>)  : i32 {
        %parallel_loop3A_134 = arith.constant 1 : i32
        %parallel_loop3A_135 = arith.addi %parallel_loop3A_134, %scan3A : i32
        %parallel_loop3A_136 = arith.index_cast %parallel_loop3A_135 : i32 to index
        %parallel_loop3A_137 = arith.index_cast %parallel_loop3A_17 : i32 to index
        %parallel_loop3A_138 = tpu.vector_load %arg7[%parallel_loop3A_136, %parallel_loop3A_137] {strides = array<i32>} : memref<81x384xf32, #tpu.memory_space<vmem>>, vector<16xf32>,
        %parallel_loop3A_139 = math.exp %parallel_loop3A_138 : vector<16xf32>
        %parallel_loop3A_140 = arith.addf %scan3A_130, %parallel_loop3A_139 : vector<16xf32>
        %parallel_loop3A_141 = arith.cmpf ogt, %parallel_loop3A_138, %scan3A_122 : vector<16xf32>
        %parallel_loop3A_142 = arith.select %parallel_loop3A_141, %parallel_loop3A_138, %scan3A_122 : vector<16xi1>, vector<16xf32>
        %parallel_loop3A_143 = vector.broadcast %parallel_loop3A_135 : i32 to vector<16xi32>
        %parallel_loop3A_144 = arith.select %parallel_loop3A_141, %parallel_loop3A_143, %scan3A_126 : vector<16xi1>, vector<16xi32>
        %parallel_loop3A_145 = arith.constant 21 : i32
        %parallel_loop3A_146 = arith.addi %parallel_loop3A_145, %scan3A : i32
        %parallel_loop3A_147 = arith.index_cast %parallel_loop3A_146 : i32 to index
        %parallel_loop3A_148 = arith.index_cast %parallel_loop3A_17 : i32 to index
        %parallel_loop3A_149 = tpu.vector_load %arg7[%parallel_loop3A_147, %parallel_loop3A_148] {strides = array<i32>} : memref<81x384xf32, #tpu.memory_space<vmem>>, vector<16xf32>,
        %parallel_loop3A_150 = math.exp %parallel_loop3A_149 : vector<16xf32>
        %parallel_loop3A_151 = arith.addf %scan3A_131, %parallel_loop3A_150 : vector<16xf32>
        %parallel_loop3A_152 = arith.cmpf ogt, %parallel_loop3A_149, %scan3A_123 : vector<16xf32>
        %parallel_loop3A_153 = arith.select %parallel_loop3A_152, %parallel_loop3A_149, %scan3A_123 : vector<16xi1>, vector<16xf32>
        %parallel_loop3A_154 = vector.broadcast %parallel_loop3A_146 : i32 to vector<16xi32>
        %parallel_loop3A_155 = arith.select %parallel_loop3A_152, %parallel_loop3A_154, %scan3A_127 : vector<16xi1>, vector<16xi32>
        %parallel_loop3A_156 = arith.constant 41 : i32
        %parallel_loop3A_157 = arith.addi %parallel_loop3A_156, %scan3A : i32
        %parallel_loop3A_158 = arith.index_cast %parallel_loop3A_157 : i32 to index
        %parallel_loop3A_159 = arith.index_cast %parallel_loop3A_17 : i32 to index
        %parallel_loop3A_160 = tpu.vector_load %arg7[%parallel_loop3A_158, %parallel_loop3A_159] {strides = array<i32>} : memref<81x384xf32, #tpu.memory_space<vmem>>, vector<16xf32>,
        %parallel_loop3A_161 = math.exp %parallel_loop3A_160 : vector<16xf32>
        %parallel_loop3A_162 = arith.addf %scan3A_132, %parallel_loop3A_161 : vector<16xf32>
        %parallel_loop3A_163 = arith.cmpf ogt, %parallel_loop3A_160, %scan3A_124 : vector<16xf32>
        %parallel_loop3A_164 = arith.select %parallel_loop3A_163, %parallel_loop3A_160, %scan3A_124 : vector<16xi1>, vector<16xf32>
        %parallel_loop3A_165 = vector.broadcast %parallel_loop3A_157 : i32 to vector<16xi32>
        %parallel_loop3A_166 = arith.select %parallel_loop3A_163, %parallel_loop3A_165, %scan3A_128 : vector<16xi1>, vector<16xi32>
        %parallel_loop3A_167 = arith.constant 61 : i32
        %parallel_loop3A_168 = arith.addi %parallel_loop3A_167, %scan3A : i32
        %parallel_loop3A_169 = arith.index_cast %parallel_loop3A_168 : i32 to index
        %parallel_loop3A_170 = arith.index_cast %parallel_loop3A_17 : i32 to index
        %parallel_loop3A_171 = tpu.vector_load %arg7[%parallel_loop3A_169, %parallel_loop3A_170] {strides = array<i32>} : memref<81x384xf32, #tpu.memory_space<vmem>>, vector<16xf32>,
        %parallel_loop3A_172 = math.exp %parallel_loop3A_171 : vector<16xf32>
        %parallel_loop3A_173 = arith.addf %scan3A_133, %parallel_loop3A_172 : vector<16xf32>
        %parallel_loop3A_174 = arith.cmpf ogt, %parallel_loop3A_171, %scan3A_125 : vector<16xf32>
        %parallel_loop3A_175 = arith.select %parallel_loop3A_174, %parallel_loop3A_171, %scan3A_125 : vector<16xi1>, vector<16xf32>
        %parallel_loop3A_176 = vector.broadcast %parallel_loop3A_168 : i32 to vector<16xi32>
        %parallel_loop3A_177 = arith.select %parallel_loop3A_174, %parallel_loop3A_176, %scan3A_129 : vector<16xi1>, vector<16xi32>
        %parallel_loop3A_178 = arith.constant 1 : i32
        %parallel_loop3A_179 = arith.addi %scan3A, %parallel_loop3A_178 : i32
        %parallel_loop3A_180 = arith.constant 1 : i32
        %parallel_loop3A_181 = arith.addi %parallel_loop3A_180, %parallel_loop3A_179 : i32
        %parallel_loop3A_182 = arith.index_cast %parallel_loop3A_181 : i32 to index
        %parallel_loop3A_183 = arith.index_cast %parallel_loop3A_17 : i32 to index
        %parallel_loop3A_184 = tpu.vector_load %arg7[%parallel_loop3A_182, %parallel_loop3A_183] {strides = array<i32>} : memref<81x384xf32, #tpu.memory_space<vmem>>, vector<16xf32>,
        %parallel_loop3A_185 = math.exp %parallel_loop3A_184 : vector<16xf32>
        %parallel_loop3A_186 = arith.addf %parallel_loop3A_140, %parallel_loop3A_185 : vector<16xf32>
        %parallel_loop3A_187 = arith.cmpf ogt, %parallel_loop3A_184, %parallel_loop3A_142 : vector<16xf32>
        %parallel_loop3A_188 = arith.select %parallel_loop3A_187, %parallel_loop3A_184, %parallel_loop3A_142 : vector<16xi1>, vector<16xf32>
        %parallel_loop3A_189 = vector.broadcast %parallel_loop3A_181 : i32 to vector<16xi32>
        %parallel_loop3A_190 = arith.select %parallel_loop3A_187, %parallel_loop3A_189, %parallel_loop3A_144 : vector<16xi1>, vector<16xi32>
        %parallel_loop3A_191 = arith.constant 21 : i32
        %parallel_loop3A_192 = arith.addi %parallel_loop3A_191, %parallel_loop3A_179 : i32
        %parallel_loop3A_193 = arith.index_cast %parallel_loop3A_192 : i32 to index
        %parallel_loop3A_194 = arith.index_cast %parallel_loop3A_17 : i32 to index
        %parallel_loop3A_195 = tpu.vector_load %arg7[%parallel_loop3A_193, %parallel_loop3A_194] {strides = array<i32>} : memref<81x384xf32, #tpu.memory_space<vmem>>, vector<16xf32>,
        %parallel_loop3A_196 = math.exp %parallel_loop3A_195 : vector<16xf32>
        %parallel_loop3A_197 = arith.addf %parallel_loop3A_151, %parallel_loop3A_196 : vector<16xf32>
        %parallel_loop3A_198 = arith.cmpf ogt, %parallel_loop3A_195, %parallel_loop3A_153 : vector<16xf32>
        %parallel_loop3A_199 = arith.select %parallel_loop3A_198, %parallel_loop3A_195, %parallel_loop3A_153 : vector<16xi1>, vector<16xf32>
        %parallel_loop3A_200 = vector.broadcast %parallel_loop3A_192 : i32 to vector<16xi32>
        %parallel_loop3A_201 = arith.select %parallel_loop3A_198, %parallel_loop3A_200, %parallel_loop3A_155 : vector<16xi1>, vector<16xi32>
        %parallel_loop3A_202 = arith.constant 41 : i32
        %parallel_loop3A_203 = arith.addi %parallel_loop3A_202, %parallel_loop3A_179 : i32
        %parallel_loop3A_204 = arith.index_cast %parallel_loop3A_203 : i32 to index
        %parallel_loop3A_205 = arith.index_cast %parallel_loop3A_17 : i32 to index
        %parallel_loop3A_206 = tpu.vector_load %arg7[%parallel_loop3A_204, %parallel_loop3A_205] {strides = array<i32>} : memref<81x384xf32, #tpu.memory_space<vmem>>, vector<16xf32>,
        %parallel_loop3A_207 = math.exp %parallel_loop3A_206 : vector<16xf32>
        %parallel_loop3A_208 = arith.addf %parallel_loop3A_162, %parallel_loop3A_207 : vector<16xf32>
        %parallel_loop3A_209 = arith.cmpf ogt, %parallel_loop3A_206, %parallel_loop3A_164 : vector<16xf32>
        %parallel_loop3A_210 = arith.select %parallel_loop3A_209, %parallel_loop3A_206, %parallel_loop3A_164 : vector<16xi1>, vector<16xf32>
        %parallel_loop3A_211 = vector.broadcast %parallel_loop3A_203 : i32 to vector<16xi32>
        %parallel_loop3A_212 = arith.select %parallel_loop3A_209, %parallel_loop3A_211, %parallel_loop3A_166 : vector<16xi1>, vector<16xi32>
        %parallel_loop3A_213 = arith.constant 61 : i32
        %parallel_loop3A_214 = arith.addi %parallel_loop3A_213, %parallel_loop3A_179 : i32
        %parallel_loop3A_215 = arith.index_cast %parallel_loop3A_214 : i32 to index
        %parallel_loop3A_216 = arith.index_cast %parallel_loop3A_17 : i32 to index
        %parallel_loop3A_217 = tpu.vector_load %arg7[%parallel_loop3A_215, %parallel_loop3A_216] {strides = array<i32>} : memref<81x384xf32, #tpu.memory_space<vmem>>, vector<16xf32>,
        %parallel_loop3A_218 = math.exp %parallel_loop3A_217 : vector<16xf32>
        %parallel_loop3A_219 = arith.addf %parallel_loop3A_173, %parallel_loop3A_218 : vector<16xf32>
        %parallel_loop3A_220 = arith.cmpf ogt, %parallel_loop3A_217, %parallel_loop3A_175 : vector<16xf32>
        %parallel_loop3A_221 = arith.select %parallel_loop3A_220, %parallel_loop3A_217, %parallel_loop3A_175 : vector<16xi1>, vector<16xf32>
        %parallel_loop3A_222 = vector.broadcast %parallel_loop3A_214 : i32 to vector<16xi32>
        %parallel_loop3A_223 = arith.select %parallel_loop3A_220, %parallel_loop3A_222, %parallel_loop3A_177 : vector<16xi1>, vector<16xi32>
        scf.yield %parallel_loop3A_188, %parallel_loop3A_199, %parallel_loop3A_210, %parallel_loop3A_221, %parallel_loop3A_190, %parallel_loop3A_201, %parallel_loop3A_212, %parallel_loop3A_223, %parallel_loop3A_186, %parallel_loop3A_197, %parallel_loop3A_208, %parallel_loop3A_219 : vector<16xf32>, vector<16xf32>, vector<16xf32>, vector<16xf32>, vector<16xi32>, vector<16xi32>, vector<16xi32>, vector<16xi32>, vector<16xf32>, vector<16xf32>, vector<16xf32>, vector<16xf32>
      }
      %parallel_loop3A_56 = arith.constant 18 : i32
      %parallel_loop3A_57 = arith.addi %parallel_loop3A_51, %parallel_loop3A_56 : i32
      %parallel_loop3A_58 = arith.constant 1 : i32
      %parallel_loop3A_59 = arith.addi %parallel_loop3A_58, %parallel_loop3A_57 : i32
      %parallel_loop3A_60 = arith.index_cast %parallel_loop3A_59 : i32 to index
      %parallel_loop3A_61 = arith.index_cast %parallel_loop3A_17 : i32 to index
      %parallel_loop3A_62 = tpu.vector_load %arg7[%parallel_loop3A_60, %parallel_loop3A_61] {strides = array<i32>} : memref<81x384xf32, #tpu.memory_space<vmem>>, vector<16xf32>,
      %parallel_loop3A_63 = math.exp %parallel_loop3A_62 : vector<16xf32>
      %parallel_loop3A_64 = arith.addf %parallel_loop3A_55#8, %parallel_loop3A_63 : vector<16xf32>
      %parallel_loop3A_65 = arith.cmpf ogt, %parallel_loop3A_62, %parallel_loop3A_55#0 : vector<16xf32>
      %parallel_loop3A_66 = arith.select %parallel_loop3A_65, %parallel_loop3A_62, %parallel_loop3A_55#0 : vector<16xi1>, vector<16xf32>
      %parallel_loop3A_67 = vector.broadcast %parallel_loop3A_59 : i32 to vector<16xi32>
      %parallel_loop3A_68 = arith.select %parallel_loop3A_65, %parallel_loop3A_67, %parallel_loop3A_55#4 : vector<16xi1>, vector<16xi32>
      %parallel_loop3A_69 = arith.constant 21 : i32
      %parallel_loop3A_70 = arith.addi %parallel_loop3A_69, %parallel_loop3A_57 : i32
      %parallel_loop3A_71 = arith.index_cast %parallel_loop3A_70 : i32 to index
      %parallel_loop3A_72 = arith.index_cast %parallel_loop3A_17 : i32 to index
      %parallel_loop3A_73 = tpu.vector_load %arg7[%parallel_loop3A_71, %parallel_loop3A_72] {strides = array<i32>} : memref<81x384xf32, #tpu.memory_space<vmem>>, vector<16xf32>,
      %parallel_loop3A_74 = math.exp %parallel_loop3A_73 : vector<16xf32>
      %parallel_loop3A_75 = arith.addf %parallel_loop3A_55#9, %parallel_loop3A_74 : vector<16xf32>
      %parallel_loop3A_76 = arith.cmpf ogt, %parallel_loop3A_73, %parallel_loop3A_55#1 : vector<16xf32>
      %parallel_loop3A_77 = arith.select %parallel_loop3A_76, %parallel_loop3A_73, %parallel_loop3A_55#1 : vector<16xi1>, vector<16xf32>
      %parallel_loop3A_78 = vector.broadcast %parallel_loop3A_70 : i32 to vector<16xi32>
      %parallel_loop3A_79 = arith.select %parallel_loop3A_76, %parallel_loop3A_78, %parallel_loop3A_55#5 : vector<16xi1>, vector<16xi32>
      %parallel_loop3A_80 = arith.constant 41 : i32
      %parallel_loop3A_81 = arith.addi %parallel_loop3A_80, %parallel_loop3A_57 : i32
      %parallel_loop3A_82 = arith.index_cast %parallel_loop3A_81 : i32 to index
      %parallel_loop3A_83 = arith.index_cast %parallel_loop3A_17 : i32 to index
      %parallel_loop3A_84 = tpu.vector_load %arg7[%parallel_loop3A_82, %parallel_loop3A_83] {strides = array<i32>} : memref<81x384xf32, #tpu.memory_space<vmem>>, vector<16xf32>,
      %parallel_loop3A_85 = math.exp %parallel_loop3A_84 : vector<16xf32>
      %parallel_loop3A_86 = arith.addf %parallel_loop3A_55#10, %parallel_loop3A_85 : vector<16xf32>
      %parallel_loop3A_87 = arith.cmpf ogt, %parallel_loop3A_84, %parallel_loop3A_55#2 : vector<16xf32>
      %parallel_loop3A_88 = arith.select %parallel_loop3A_87, %parallel_loop3A_84, %parallel_loop3A_55#2 : vector<16xi1>, vector<16xf32>
      %parallel_loop3A_89 = vector.broadcast %parallel_loop3A_81 : i32 to vector<16xi32>
      %parallel_loop3A_90 = arith.select %parallel_loop3A_87, %parallel_loop3A_89, %parallel_loop3A_55#6 : vector<16xi1>, vector<16xi32>
      %parallel_loop3A_91 = arith.constant 61 : i32
      %parallel_loop3A_92 = arith.addi %parallel_loop3A_91, %parallel_loop3A_57 : i32
      %parallel_loop3A_93 = arith.index_cast %parallel_loop3A_92 : i32 to index
      %parallel_loop3A_94 = arith.index_cast %parallel_loop3A_17 : i32 to index
      %parallel_loop3A_95 = tpu.vector_load %arg7[%parallel_loop3A_93, %parallel_loop3A_94] {strides = array<i32>} : memref<81x384xf32, #tpu.memory_space<vmem>>, vector<16xf32>,
      %parallel_loop3A_96 = math.exp %parallel_loop3A_95 : vector<16xf32>
      %parallel_loop3A_97 = arith.addf %parallel_loop3A_55#11, %parallel_loop3A_96 : vector<16xf32>
      %parallel_loop3A_98 = arith.cmpf ogt, %parallel_loop3A_95, %parallel_loop3A_55#3 : vector<16xf32>
      %parallel_loop3A_99 = arith.select %parallel_loop3A_98, %parallel_loop3A_95, %parallel_loop3A_55#3 : vector<16xi1>, vector<16xf32>
      %parallel_loop3A_100 = vector.broadcast %parallel_loop3A_92 : i32 to vector<16xi32>
      %parallel_loop3A_101 = arith.select %parallel_loop3A_98, %parallel_loop3A_100, %parallel_loop3A_55#7 : vector<16xi1>, vector<16xi32>
      %parallel_loop3A_102 = arith.constant 19 : i32
      %parallel_loop3A_103 = arith.cmpf ogt, %parallel_loop3A_77, %parallel_loop3A_66 : vector<16xf32>
      %parallel_loop3A_104 = arith.select %parallel_loop3A_103, %parallel_loop3A_77, %parallel_loop3A_66 : vector<16xi1>, vector<16xf32>
      %parallel_loop3A_105 = arith.select %parallel_loop3A_103, %parallel_loop3A_79, %parallel_loop3A_68 : vector<16xi1>, vector<16xi32>
      %parallel_loop3A_106 = arith.cmpf ogt, %parallel_loop3A_99, %parallel_loop3A_88 : vector<16xf32>
      %parallel_loop3A_107 = arith.select %parallel_loop3A_106, %parallel_loop3A_99, %parallel_loop3A_88 : vector<16xi1>, vector<16xf32>
      %parallel_loop3A_108 = arith.select %parallel_loop3A_106, %parallel_loop3A_101, %parallel_loop3A_90 : vector<16xi1>, vector<16xi32>
      %parallel_loop3A_109 = arith.cmpf ogt, %parallel_loop3A_107, %parallel_loop3A_104 : vector<16xf32>
      %parallel_loop3A_110 = arith.select %parallel_loop3A_109, %parallel_loop3A_107, %parallel_loop3A_104 : vector<16xi1>, vector<16xf32>
      %parallel_loop3A_111 = arith.select %parallel_loop3A_109, %parallel_loop3A_108, %parallel_loop3A_105 : vector<16xi1>, vector<16xi32>
      %parallel_loop3A_112 = arith.addf %parallel_loop3A_64, %parallel_loop3A_75 : vector<16xf32>
      %parallel_loop3A_113 = arith.addf %parallel_loop3A_86, %parallel_loop3A_97 : vector<16xf32>
      %parallel_loop3A_114 = arith.addf %parallel_loop3A_112, %parallel_loop3A_113 : vector<16xf32>
      %parallel_loop3A_115 = arith.addf %parallel_loop3A_22, %parallel_loop3A_114 : vector<16xf32>
      %parallel_loop3A_116 = math.exp %parallel_loop3A_110 : vector<16xf32>
      %parallel_loop3A_117 = arith.divf %parallel_loop3A_116, %parallel_loop3A_115 : vector<16xf32>
      %parallel_loop3A_118 = arith.index_cast %parallel_loop3A_17 : i32 to index
      %parallel_loop3A_119 = tpu.vector_load %arg8[%parallel_loop3A_118] {strides = array<i32>} : memref<384xf32, #tpu.memory_space<vmem>>, vector<16xf32>,
      tpu.vector_store %arg8[%parallel_loop3A_118], %parallel_loop3A_117 {strides = array<i32>} : memref<384xf32, #tpu.memory_space<vmem>>, vector<16xf32>,
      %parallel_loop3A_120 = arith.index_cast %parallel_loop3A_17 : i32 to index
      %parallel_loop3A_121 = tpu.vector_load %arg9[%parallel_loop3A_120] {strides = array<i32>} : memref<384xi32, #tpu.memory_space<vmem>>, vector<16xi32>,
      tpu.vector_store %arg9[%parallel_loop3A_120], %parallel_loop3A_111 {strides = array<i32>} : memref<384xi32, #tpu.memory_space<vmem>>, vector<16xi32>,
    } {sc.loop_unroll_factor = 1 : i64, sc.parallel_access}
    "tpu.region"() ({
      %run_scoped3A = tpu.sem_alloc : memref<!tpu.dma_semaphore, #tpu.memory_space<semaphore_mem>>
      %dma_start3A = tpu.memref_slice %arg8[%multiple_of3A_12] : memref<384xf32, #tpu.memory_space<vmem>> -> memref<160xf32, #tpu.memory_space<vmem>>
      %dma_start3A_17 = tpu.memref_slice %arg5[%multiple_of3A] : memref<5000xf32, #tpu.memory_space<hbm>> -> memref<160xf32, #tpu.memory_space<hbm>>
      %dma_start3A_18 = tpu.memref_slice %arg5[%multiple_of3A] : memref<5000xf32, #tpu.memory_space<hbm>> -> memref<160xf32, #tpu.memory_space<hbm>>
      %dma_start3A_19 = tpu.memref_slice %arg8[%multiple_of3A_12] : memref<384xf32, #tpu.memory_space<vmem>> -> memref<160xf32, #tpu.memory_space<vmem>>
      tpu.enqueue_dma source(%dma_start3A_19 : memref<160xf32, #tpu.memory_space<vmem>>) target(%dma_start3A_18 : memref<160xf32, #tpu.memory_space<hbm>>) target_semaphore(%run_scoped3A : memref<!tpu.dma_semaphore, #tpu.memory_space<semaphore_mem>>)
      %dma_wait3A = tpu.memref_slice %arg8[%multiple_of3A_12] : memref<384xf32, #tpu.memory_space<vmem>> -> memref<160xf32, #tpu.memory_space<vmem>>
      %dma_wait3A_20 = tpu.memref_slice %arg5[%multiple_of3A] : memref<5000xf32, #tpu.memory_space<hbm>> -> memref<160xf32, #tpu.memory_space<hbm>>
      %dma_wait3A_21 = tpu.memref_slice %arg5[%multiple_of3A] : memref<5000xf32, #tpu.memory_space<hbm>> -> memref<160xf32, #tpu.memory_space<hbm>>
      %dma_wait3A_22 = tpu.memref_slice %arg8[%multiple_of3A_12] : memref<384xf32, #tpu.memory_space<vmem>> -> memref<160xf32, #tpu.memory_space<vmem>>
      tpu.wait_dma2 semaphore(%run_scoped3A : memref<!tpu.dma_semaphore, #tpu.memory_space<semaphore_mem>>) src(%dma_wait3A_22 : memref<160xf32, #tpu.memory_space<vmem>>) dst(%dma_wait3A_21 : memref<160xf32, #tpu.memory_space<hbm>>)
      tpu.yield
    }) : () -> ()
    "tpu.region"() ({
      %run_scoped3A = tpu.sem_alloc : memref<!tpu.dma_semaphore, #tpu.memory_space<semaphore_mem>>
      %dma_start3A = tpu.memref_slice %arg9[%multiple_of3A_12] : memref<384xi32, #tpu.memory_space<vmem>> -> memref<160xi32, #tpu.memory_space<vmem>>
      %dma_start3A_17 = tpu.memref_slice %arg6[%multiple_of3A] : memref<5000xi32, #tpu.memory_space<hbm>> -> memref<160xi32, #tpu.memory_space<hbm>>
      %dma_start3A_18 = tpu.memref_slice %arg6[%multiple_of3A] : memref<5000xi32, #tpu.memory_space<hbm>> -> memref<160xi32, #tpu.memory_space<hbm>>
      %dma_start3A_19 = tpu.memref_slice %arg9[%multiple_of3A_12] : memref<384xi32, #tpu.memory_space<vmem>> -> memref<160xi32, #tpu.memory_space<vmem>>
      tpu.enqueue_dma source(%dma_start3A_19 : memref<160xi32, #tpu.memory_space<vmem>>) target(%dma_start3A_18 : memref<160xi32, #tpu.memory_space<hbm>>) target_semaphore(%run_scoped3A : memref<!tpu.dma_semaphore, #tpu.memory_space<semaphore_mem>>)
      %dma_wait3A = tpu.memref_slice %arg9[%multiple_of3A_12] : memref<384xi32, #tpu.memory_space<vmem>> -> memref<160xi32, #tpu.memory_space<vmem>>
      %dma_wait3A_20 = tpu.memref_slice %arg6[%multiple_of3A] : memref<5000xi32, #tpu.memory_space<hbm>> -> memref<160xi32, #tpu.memory_space<hbm>>
      %dma_wait3A_21 = tpu.memref_slice %arg6[%multiple_of3A] : memref<5000xi32, #tpu.memory_space<hbm>> -> memref<160xi32, #tpu.memory_space<hbm>>
      %dma_wait3A_22 = tpu.memref_slice %arg9[%multiple_of3A_12] : memref<384xi32, #tpu.memory_space<vmem>> -> memref<160xi32, #tpu.memory_space<vmem>>
      tpu.wait_dma2 semaphore(%run_scoped3A : memref<!tpu.dma_semaphore, #tpu.memory_space<semaphore_mem>>) src(%dma_wait3A_22 : memref<160xi32, #tpu.memory_space<vmem>>) dst(%dma_wait3A_21 : memref<160xi32, #tpu.memory_space<hbm>>)
      tpu.yield
    }) : () -> ()
    %eq3A = arith.constant 31 : i32
    %eq3A_15 = arith.cmpi eq, %add3A, %eq3A : i32
    %convert_element_type3A = arith.extui %eq3A_15 : i1 to i32
    %cond3A = arith.constant 0 : i32
    %cond3A_16 = arith.cmpi ne, %convert_element_type3A, %cond3A : i32
    scf.if %cond3A_16 {
      "tpu.region"() ({
        %run_scoped3A = tpu.sem_alloc : memref<!tpu.dma_semaphore, #tpu.memory_space<semaphore_mem>>
        tpu.enqueue_dma source(%arg3 : memref<8xf32, #tpu.memory_space<hbm>>) target(%arg10 : memref<8xf32, #tpu.memory_space<vmem>>) target_semaphore(%run_scoped3A : memref<!tpu.dma_semaphore, #tpu.memory_space<semaphore_mem>>)
        tpu.wait_dma2 semaphore(%run_scoped3A : memref<!tpu.dma_semaphore, #tpu.memory_space<semaphore_mem>>) src(%arg3 : memref<8xf32, #tpu.memory_space<hbm>>) dst(%arg10 : memref<8xf32, #tpu.memory_space<vmem>>)
        tpu.yield
      }) : () -> ()
      "tpu.region"() ({
        %run_scoped3A = tpu.sem_alloc : memref<!tpu.dma_semaphore, #tpu.memory_space<semaphore_mem>>
        tpu.enqueue_dma source(%arg4 : memref<8xi32, #tpu.memory_space<hbm>>) target(%arg11 : memref<8xi32, #tpu.memory_space<vmem>>) target_semaphore(%run_scoped3A : memref<!tpu.dma_semaphore, #tpu.memory_space<semaphore_mem>>)
        tpu.wait_dma2 semaphore(%run_scoped3A : memref<!tpu.dma_semaphore, #tpu.memory_space<semaphore_mem>>) src(%arg4 : memref<8xi32, #tpu.memory_space<hbm>>) dst(%arg11 : memref<8xi32, #tpu.memory_space<vmem>>)
        tpu.yield
      }) : () -> ()
      "tpu.region"() ({
        %run_scoped3A = tpu.sem_alloc : memref<!tpu.dma_semaphore, #tpu.memory_space<semaphore_mem>>
        %dma_start3A = arith.constant 4992 : i32
        %dma_start3A_17 = tpu.memref_slice %arg5[%dma_start3A] : memref<5000xf32, #tpu.memory_space<hbm>> -> memref<8xf32, #tpu.memory_space<hbm>>
        %dma_start3A_18 = arith.constant 4992 : i32
        %dma_start3A_19 = tpu.memref_slice %arg5[%dma_start3A_18] : memref<5000xf32, #tpu.memory_space<hbm>> -> memref<8xf32, #tpu.memory_space<hbm>>
        tpu.enqueue_dma source(%arg10 : memref<8xf32, #tpu.memory_space<vmem>>) target(%dma_start3A_19 : memref<8xf32, #tpu.memory_space<hbm>>) target_semaphore(%run_scoped3A : memref<!tpu.dma_semaphore, #tpu.memory_space<semaphore_mem>>)
        %dma_wait3A = arith.constant 4992 : i32
        %dma_wait3A_20 = tpu.memref_slice %arg5[%dma_wait3A] : memref<5000xf32, #tpu.memory_space<hbm>> -> memref<8xf32, #tpu.memory_space<hbm>>
        %dma_wait3A_21 = arith.constant 4992 : i32
        %dma_wait3A_22 = tpu.memref_slice %arg5[%dma_wait3A_21] : memref<5000xf32, #tpu.memory_space<hbm>> -> memref<8xf32, #tpu.memory_space<hbm>>
        tpu.wait_dma2 semaphore(%run_scoped3A : memref<!tpu.dma_semaphore, #tpu.memory_space<semaphore_mem>>) src(%arg10 : memref<8xf32, #tpu.memory_space<vmem>>) dst(%dma_wait3A_22 : memref<8xf32, #tpu.memory_space<hbm>>)
        tpu.yield
      }) : () -> ()
      "tpu.region"() ({
        %run_scoped3A = tpu.sem_alloc : memref<!tpu.dma_semaphore, #tpu.memory_space<semaphore_mem>>
        %dma_start3A = arith.constant 4992 : i32
        %dma_start3A_17 = tpu.memref_slice %arg6[%dma_start3A] : memref<5000xi32, #tpu.memory_space<hbm>> -> memref<8xi32, #tpu.memory_space<hbm>>
        %dma_start3A_18 = arith.constant 4992 : i32
        %dma_start3A_19 = tpu.memref_slice %arg6[%dma_start3A_18] : memref<5000xi32, #tpu.memory_space<hbm>> -> memref<8xi32, #tpu.memory_space<hbm>>
        tpu.enqueue_dma source(%arg11 : memref<8xi32, #tpu.memory_space<vmem>>) target(%dma_start3A_19 : memref<8xi32, #tpu.memory_space<hbm>>) target_semaphore(%run_scoped3A : memref<!tpu.dma_semaphore, #tpu.memory_space<semaphore_mem>>)
        %dma_wait3A = arith.constant 4992 : i32
        %dma_wait3A_20 = tpu.memref_slice %arg6[%dma_wait3A] : memref<5000xi32, #tpu.memory_space<hbm>> -> memref<8xi32, #tpu.memory_space<hbm>>
        %dma_wait3A_21 = arith.constant 4992 : i32
        %dma_wait3A_22 = tpu.memref_slice %arg6[%dma_wait3A_21] : memref<5000xi32, #tpu.memory_space<hbm>> -> memref<8xi32, #tpu.memory_space<hbm>>
        tpu.wait_dma2 semaphore(%run_scoped3A : memref<!tpu.dma_semaphore, #tpu.memory_space<semaphore_mem>>) src(%arg11 : memref<8xi32, #tpu.memory_space<vmem>>) dst(%dma_wait3A_22 : memref<8xi32, #tpu.memory_space<hbm>>)
        tpu.yield
      }) : () -> ()
    } else {
    }
    return
  }
}

</mosaic_0001>

<sc_bundles>
// kernel: kernel.3.cloned.1.call-start
scs
__scs_entry_jumppad:
0x0: {  	(pc) =	sbr.rel $0x88, $3  }
0x1: {  	(tag) =	ssettag $0x0;
	lr =	simm.s32 $0x1  }
0x2: {  	[smem:$0x3F9F] =	sst lr;
	_ =	strace $0xD0000000  }
0x3: {  	_ = 	snop  }
0x4: {  	_ = 	snop  }
0x5: {  	_ = 	snop  }
0x6: {  	_ = 	snop  }
0x7: {  	_ = 	snop  }
__scs_overlays_trampoline_lowered:
0x8: {  	[smem:$0x3FAE] =	sst s0  }
0x9: {  	[smem:$0x3FAF] =	sst s1  }
0xa: {  	[smem:$0x3FB0] =	sst s2  }
0xb: {  	[smem:$0x3FB1] =	sst s3  }
0xc: {  	[smem:$0x3FB2] =	sst s4  }
0xd: {  	[smem:$0x3FB3] =	sst s5  }
0xe: {  	[smem:$0x3FB4] =	sst s6  }
0xf: {  	[smem:$0x3FB5] =	sst s7  }
0x10: {  	[smem:$0x3FB6] =	sst s8  }
0x11: {  	[smem:$0x3FB7] =	sst s9;
	s0 =	simm.s32 @!p0 $0x0  }
0x12: {  	s1 =	sld [smem:$0x3F9D];
	s0 =	simm.s32 @p0 $0x1  }
0x13: {  	[smem:$0x3FB8] =	sst s0;
	s0 =	simm.s32 @!p1 $0x0  }
0x14: {  	s2 =	sld [smem:$0x3F9C];
	s0 =	simm.s32 @p1 $0x1  }
0x15: {  	[smem:$0x3FB9] =	sst s0;
	s0 =	simm.s32 @!p2 $0x0  }
0x16: {  	s3 =	sld [smem:$0x3FDB];
	s0 =	simm.s32 @p2 $0x1  }
0x17: {  	s4 =	simm.s32 $0x1BF5;
	[smem:$0x3FBB] =	sst s0  }
0x18: {  	s0 =	sld [smem:$0x3F9E];
	_ =	swait.ge [sflag:s4], $0x0  }
0x19: {  	s7 =	sld [smem:$0x3F9F]  }
0x1a: {  	s8 =	sadd.s32 $0xFFFFE003, lr  }
0x1b: {  	s9 =	sadd.s32 $0xFFFFFEF7, lr;
	s5 =	simm.s32 $0xFFFFFFFF;
	p2 =	slt.u32 s8, $0xFFFFF086  }
0x1c: {  	p1 =	slt.u32 s9, $0xF7A;
	s5 =	simm.s32 @!p2 $0x0  }
0x1d: {  	s5 =	simm.s32 @p1 $0x1;
	p0 =	seq.s32 s7, s2  }
0x1e: {  	s7 =	smul.u32 @!p0 $0xF7A, s2;
	p2 =	seq.s32 @!p0 s5, $0x0  }
0x1f: {  	s9 =	smul.u32 $0xF7A, s1;
	s8 =	simm.s32 @!p0 $0x1BF5;
	p2 =	por !p2, p0  }
0x20: {  	[sflag:s8] =	ssyncset.s32 @!p0 $0xFFFFF086;
	s6 =	sadd.s32 @!p0 s3, s7;
	s7 =	simm.s32 @!p0 $0x108  }
0x21: {  	s3 =	sadd.s32 s3, s9;
	s6 =	sadd.s32 @!p0 $0x88, s6;
	s7 =	simm.s32 @p2 $0x1082  }
0x22: {  	[simem:s7], [sflag:s8] =	dma.local @!p0 [hbm:s6], $0xF7A  }
0x23: {  	s9 =	sor.u32 $0xD0000000, s2;
	s6 =	simm.s32 $0x108;
	_ =	swait.ge @!p0 [sflag:s8], $0x0  }
0x24: {  	s3 =	sadd.s32 $0x88, s3;
	s6 =	simm.s32 @!p1 $0x1082;
	[sflag:s4] =	ssyncset.s32 $0xFFFFF086  }
0x25: {  	[simem:s6], [sflag:s4] =	dma.local [hbm:s3], $0xF7A  }
0x26: {  	[smem:$0x3F9F] =	sst s1;
	(tag) =	ssettag s2;
	_ =	strace s9  }
0x27: {  	s1 =	sld [smem:$0x3FAF]  }
0x28: {  	s2 =	sld [smem:$0x3FB0]  }
0x29: {  	s4 =	sld [smem:$0x3FB2]  }
0x2a: {  	p0 =	seq.s32 s5, $0x0;
	s5 =	sld [smem:$0x3FB3]  }
0x2b: {  	s6 =	sld [smem:$0x3FB4]  }
0x2c: {  	s7 =	sld [smem:$0x3FB5]  }
0x2d: {  	s3 =	simm.s32 $0x108;
	s8 =	sld [smem:$0x3FB6]  }
0x2e: {  	s3 =	simm.s32 @!p0 $0x1082;
	s9 =	sld [smem:$0x3FB7]  }
0x2f: {  	lr =	sadd.s32 s0, s3;
	s0 =	sld [smem:$0x3FAE]  }
0x30: {  	s3 =	sld [smem:$0x3FB1]  }
0x31: {  	[smem:$0x3FBA] =	sst s10  }
0x32: {  	s10 =	sld [smem:$0x3FB8];
	_ =	sdelay $0x3  }
0x33: {  	p0 =	seq.s32 s10, $0x1;
	s10 =	sld [smem:$0x3FBA];
	_ =	sdelay $0x3  }
0x34: {  	[smem:$0x3FBA] =	sst s10  }
0x35: {  	s10 =	sld [smem:$0x3FB9];
	_ =	sdelay $0x3  }
0x36: {  	p1 =	seq.s32 s10, $0x1;
	s10 =	sld [smem:$0x3FBA];
	_ =	sdelay $0x3  }
0x37: {  	[smem:$0x3FBA] =	sst s10  }
0x38: {  	s10 =	sld [smem:$0x3FBB]  }
0x39: {  	_ = 	snop;
	(pc) =	sbr.ind lr, $3  }
0x3a: {  	_ = 	snop  }
0x3b: {  	_ = 	snop  }
0x3c: {  	p2 =	seq.s32 s10, $0x1;
	s10 =	sld [smem:$0x3FBA]  }
0x3d: {  	_ =	shalt  }
0x3e: {  	_ =	shalt  }
0x3f: {  	_ =	shalt  }
0x40: {  	_ =	shalt  }
0x41: {  	_ =	shalt  }
0x42: {  	_ =	shalt  }
0x43: {  	_ =	shalt  }
0x44: {  	_ =	shalt  }
0x45: {  	_ =	shalt  }
0x46: {  	_ =	shalt  }
0x47: {  	_ =	shalt  }
0x48: {  	_ =	shalt  }
0x49: {  	_ =	shalt  }
0x4a: {  	_ =	shalt  }
0x4b: {  	_ =	shalt  }
0x4c: {  	_ =	shalt  }
0x4d: {  	_ =	shalt  }
0x4e: {  	_ =	shalt  }
0x4f: {  	_ =	shalt  }
0x50: {  	_ =	shalt  }
0x51: {  	_ =	shalt  }
0x52: {  	_ =	shalt  }
0x53: {  	_ =	shalt  }
0x54: {  	_ =	shalt  }
0x55: {  	_ =	shalt  }
0x56: {  	_ =	shalt  }
0x57: {  	_ =	shalt  }
0x58: {  	_ =	shalt  }
0x59: {  	_ =	shalt  }
0x5a: {  	_ =	shalt  }
0x5b: {  	_ =	shalt  }
0x5c: {  	_ =	shalt  }
0x5d: {  	_ =	shalt  }
0x5e: {  	_ =	shalt  }
0x5f: {  	_ =	shalt  }
0x60: {  	_ =	shalt  }
0x61: {  	_ =	shalt  }
0x62: {  	_ =	shalt  }
0x63: {  	_ =	shalt  }
0x64: {  	_ =	shalt  }
0x65: {  	_ =	shalt  }
0x66: {  	_ =	shalt  }
0x67: {  	_ =	shalt  }
0x68: {  	_ =	shalt  }
0x69: {  	_ =	shalt  }
0x6a: {  	_ =	shalt  }
0x6b: {  	_ =	shalt  }
0x6c: {  	_ =	shalt  }
0x6d: {  	_ =	shalt  }
0x6e: {  	_ =	shalt  }
0x6f: {  	_ =	shalt  }
0x70: {  	_ =	shalt  }
0x71: {  	_ =	shalt  }
0x72: {  	_ =	shalt  }
0x73: {  	_ =	shalt  }
0x74: {  	_ =	shalt  }
0x75: {  	_ =	shalt  }
0x76: {  	_ =	shalt  }
0x77: {  	_ =	shalt  }
0x78: {  	_ =	shalt  }
0x79: {  	_ =	shalt  }
0x7a: {  	_ =	shalt  }
0x7b: {  	_ =	shalt  }
0x7c: {  	_ =	shalt  }
0x7d: {  	_ =	shalt  }
0x7e: {  	_ =	shalt  }
0x7f: {  	_ =	shalt  }
0x80: {  	_ =	shalt  }
0x81: {  	_ =	shalt  }
0x82: {  	_ =	shalt  }
0x83: {  	_ =	shalt  }
0x84: {  	_ =	shalt  }
0x85: {  	_ =	shalt  }
0x86: {  	_ =	shalt  }
0x87: {  	_ =	shalt  }
.Lfunc_end0:
.L_simem_size_0:
called_computation_lowered:
.L_overlay_start_0:
0x88: {  	s2 =	sld [smem:$0x3FD9]  }
0x89: {  	s3 =	sld [smem:$0x3FFE];
	_ =	sdelay $0x1  }
0x8a: {  	s1 =	srdreg.scid  }
0x8b: {  	s0 =	sand.u32 $0x1, s1  }
0x8c: {  	s14 =	sshll.u32 s0, $0xA;
	s2 =	sadd.s32 s3, s2  }
0x8d: {  	s2 =	sadd.s32 s2, s14  }
0x8e: {  	[smem:$0x3FC6] =	sst s2  }
0x8f: {  	_ = 	snop  }
0x90: {  	s2 =	sld [smem:$0x3FD0];
	_ =	sdelay $0x2  }
0x91: {  	s4 =	simm.s32 $0xA;
	s5 =	simm.s32 $0x10;
	s15 =	sld [smem:$0x3FC9]  }
0x92: {  	[smem:s5], [sflag:s4] =	dma.local [hbm:s2], $0x1  }
0x93: {  	_ =	swait.eq [sflag:s4], $0x1  }
0x94: {  	s16 =	sld [smem:$0x10];
	[sflag:s4] =	ssyncset.done $0x0  }
0x95: {  	s17 =	sld [smem:$0x11];
	[sflag:s4] =	ssyncadd.s32 $0xFFFFFFFF  }
0x96: {  	s18 =	sld [smem:$0x12];
	(tm) =	ssettm $0x1  }
0x97: {  	s6 =	sld [smem:$0x3FFB];
	_ =	sdelay $0x3  }
0x98: {  	_ =	strace s6  }
0x99: {  	s6 =	sld [smem:$0x3FFC];
	_ =	sdelay $0x3  }
0x9a: {  	_ =	strace s6  }
0x9b: {  	s6 =	sld [smem:$0x3FFD];
	_ =	sdelay $0x3  }
0x9c: {  	_ =	strace s6  }
0x9d: {  	_ =	strace $0x8FFFFFFF  }
0x9e: {  	s19 =	sld [smem:$0x3FDB];
	_ =	sdelay $0x1  }
0x9f: {  	s7 =	simm.s32 $_scs_section_size  }
0xa0: {  	s8 =	simm.s32 $_size__tile_overlayer_lowered;
	s9 =	simm.s32 $_tile_overlayer_lowered  }
0xa1: {  	s22 =	simm.s32 $0x1BFF;
	s21 =	sshll.u32 s9, $0x1;
	s6 =	sadd.s32 s7, s19  }
0xa2: {  	s10 =	simm.s32 $0x0;
	s20 =	sshll.u32 s8, $0x1;
	s8 =	sadd.s32 s21, s6  }
0xa3: {  	[timem:s10], [sflag:s22] =	dma.local [hbm:s8], s20  }
0xa4: {  	_ =	swait.ge [sflag:s22], s20  }
0xa5: {  	s7 =	ssub.s32 $0x0, s20;
	[sflag:s22] =	ssyncset.done $0x0  }
0xa6: {  	[sflag:s22] =	ssyncadd.s32 s7;
	_ =	sdelay $0x1  }
0xa7: {  	s23 =	simm.s32 $0x1B8B  }
0xa8: {  	_ =	swait.ge [sflag:s23], $0x1  }
0xa9: {  	[sflag:s23] =	ssyncset.done $0x0  }
0xaa: {  	s25 =	simm.s32 $0x1B8E;
	s24 =	sld [smem:$0x3FFE];
	[sflag:s23] =	ssyncadd.s32 $0xFFFFFFFF  }
0xab: {  	s26 =	simm.s32 $execute0_lowered;
	[smem:$0x3FD2] =	sst s25  }
0xac: {  	s8 =	sshll.u32 s26, $0x1;
	_ =	strace $0x80000046;
	[dreg:$0x1] =	wrdreg $0xFFFFFFFF  }
0xad: {  	s28 =	simm.s32 $_size_execute0_lowered;
	s6 =	sadd.s32 s6, s8;
	[dreg:$0x0] =	wrdreg $0x0  }
0xae: {  	s8 =	sshll.u32 s28, $0x1;
	[dreg:$0x2] =	wrdreg s6  }
0xaf: {  	[dreg:$0x3] =	wrdreg s8  }
0xb0: {  	[dreg:$0x4] =	wrdreg $0xC0  }
0xb1: {  	_ =	task [dreg:s10], $0x5FFFF  }
0xb2: {  	[dreg:$0x1] =	wrdreg $0xFFFFFFFF  }
0xb3: {  	[dreg:$0x0] =	wrdreg $0x60  }
0xb4: {  	[dreg:$0x2] =	wrdreg s15  }
0xb5: {  	[dreg:$0x3] =	wrdreg s16  }
0xb6: {  	[dreg:$0x4] =	wrdreg s24  }
0xb7: {  	[dreg:$0x5] =	wrdreg s17  }
0xb8: {  	[dreg:$0x6] =	wrdreg s18  }
0xb9: {  	[dreg:$0x7] =	wrdreg $0x9  }
0xba: {  	_ =	task.clear_ibuf [dreg:s10], $0x8FFFF;
	_ =	strace $0x90000046  }
0xbb: {  	s29 =	simm.s32 $0x9;
	_ =	strace $0x80000048  }
0xbc: {  	_ =	swait.ge [sflag:s29], $0x1  }
0xbd: {  	[sflag:s29] =	ssyncadd.s32 $0xFFFFFFFF  }
0xbe: {  	_ =	strace $0x90000048  }
0xbf: {  	_ =	sfence  }
0xc0: {  	s30 =	sld [smem:$0x0];
	_ =	sdelay $0x2  }
0xc1: {  	s31 =	sshll.u32 s1, $0xD;
	s1 =	sshrl.u32 s1, $0x2  }
0xc2: {  	s3 =	sand.u32 $0x4000, s31;
	s1 =	sadd.s32 s1, s30  }
0xc3: {  	s0 =	sor.u32 s3, s0;
	s1 =	sshll.u32 s1, $0x11  }
0xc4: {  	s0 =	sor.u32 s1, s0  }
0xc5: {  	s0 =	sadd.s32 $0x8F2B, s0  }
0xc6: {  	[sflag:s0] =	ssyncadd.remote.s32 $0x1  }
0xc7: {  	_ =	sfence.sel $0xFFFF  }
0xc8: {  	[dreg:$0x0] =	wrdreg $0xFFFFFFFF;
	(pc) =	sbr.abs _section_cstart, $3  }
0xc9: {  	[dreg:$0x1] =	wrdreg $0xFFFFFFFF  }
0xca: {  	_ =	task.clear_ibuf [dreg:s10], $0x2FFFF;
	_ =	strace $0x9FFFFFFF  }
0xcb: {  	(tm) =	ssettm $0x7FFFFFFF  }
tec
execute0_lowered:
.L_overlay_start_1:
0x0: {  	(tag) =	ssettag $0x1  }
0x1: {  	s1 =	srdreg.scid;
	s2 =	stileid.u32  }
0x2: {  	s0 =	rddreg [dreg:$0x0];
	s1 =	sand.u32 $0x1, s1;
	s2 =	sshll.u32 s2, $0x1  }
0x3: {  	s3 =	rddreg [dreg:$0x3];
	s2 =	sor.u32 s1, s2  }
0x4: {  	s6 =	rddreg [dreg:$0x4];
	s10 =	simm.s32 $0x0;
	s5 =	smul.u32 $0x12E0, s2  }
0x5: {  	[smem:$0x7FF] =	sst s10;
	s28 =	sadd.s32 $0x270, s3  }
0x6: {  	s29 =	sadd.s32 $0x270, s6;
	s1 =	ssub.s32 $0x2, s1;
	s5 =	smulhi.u32 $0x8421085, s5  }
0x7: {  	_ =	strace $0x80000047;
	[dreg:$0xc] =	wrdreg s28;
	s7 =	sshrl.u32 s1, $0x1  }
0x8: {  	s1 =	ssub.s32 s1, s7;
	s8 =	sand.u32 $0x3FF0, s5;
	s5 =	sand.u32 $0x3F80, s5  }
0x9: {  	[dreg:$0xd] =	wrdreg s29;
	s30 =	smax.u32 s1, $0x1;
	s22 =	smin.u32 s5, $0x1200  }
0xa: {  	[dreg:$0xe] =	wrdreg s30;
	s9 =	sshrl.u32 s8, $0x3;
	s0 =	sadd.s32 s0, s22  }
0xb: {  	s23 =	sadd.s32 s3, s9;
	[dreg:$0x7] =	wrdreg s0  }
0xc: {  	s25 =	sadd.s32 s6, s9;
	[dreg:$0x8] =	wrdreg s23  }
0xd: {  	s4 =	ssub.s32 s8, s22;
	[dreg:$0xa] =	wrdreg s25  }
0xe: {  	s24 =	sadd.s32 $0x8400, s4;
	[dreg:$0x6] =	wrdreg s4  }
0xf: {  	s26 =	sadd.s32 $0x8580, s4;
	[dreg:$0x9] =	wrdreg s24  }
0x10: {  	p0 =	seq.s32 s2, $0x1F;
	s31 =	sadd.s32 $0x90, s4;
	[dreg:$0xb] =	wrdreg s26  }
0x11: {  	s1 =	simm.s32 $0x0;
	s5 =	simm.s32 $0x1;
	[dreg:$0xf] =	wrdreg s31  }
.LBB2_1:
0x12: {  	[dreg:$0x10] =	wrdreg s1  }
0x13: {  	s0 =	rddreg [dreg:$0x7];
	s31 =	simm.s32 $0xC00;
	s2 =	simm.s32 $0xA000  }
0x14: {  	[tilespmem:s10], [sflag:$0x1] =	stream.strided.gather [hbm4b:s0+s31], $0x8400, s2, s31, $0x38;
	[tilespmem:$0x8800] =	vst v63  }
0x15: {  	_ =	swait.ge [sflag:s5], $0x8400  }
0x16: {  	[sflag:s5] =	ssyncset.done $0x0  }
0x17: {  	s19 =	rddreg [dreg:$0x6];
	[sflag:s5] =	ssyncadd.s32 $0xFFFF7C00  }
.LBB2_2:
0x18: {  	s0 =	sshll.u32 s19, $0x3;
	s4 =	sand.u32 $0x70, s19  }
0x19: {  	s2 =	simm.s32 $0x0;
	s18 =	simm.s32 $0x1F80;
	s20 =	simm.s32 $0x3  }
0x1a: {  	s21 =	simm.s32 $0x17;
	s3 =	simm.s32 $0x2;
	s6 =	simm.s32 $0x180  }
0x1b: {  	s22 =	simm.s32 $0x2B;
	s7 =	simm.s32 $0xB80;
	s9 =	simm.s32 $0x100  }
0x1c: {  	s10 =	simm.s32 $0x0;
	s15 =	simm.s32 $0xB00;
	s16 =	simm.s32 $0x1580  }
0x1d: {  	s26 =	simm.s32 $0x1500;
	s28 =	simm.s32 $0x1F00;
	s29 =	simm.s32 $0x5  }
0x1e: {  	s30 =	simm.s32 $0x7;
	s31 =	simm.s32 $0x2;
	s2 =	smul.u32 $0x3000, s2  }
0x1f: {  	s11 =	simm.s32 $0x5;
	s24 =	simm.s32 $0x7;
	s3 =	smul.u32 $0x3000, s3  }
0x20: {  	s17 =	simm.s32 $0x0;
	s25 =	sand.u32 $0xFFFFFC00, s0;
	s10 =	smul.u32 $0x3000, s10  }
0x21: {  	s6 =	sand.u32 $0x380, s6;
	s23 =	sand.u32 $0x380, s7;
	s29 =	smul.u32 $0x3000, s29  }
0x22: {  	[dreg:$0x11] =	wrdreg s4;
	s9 =	sand.u32 $0x380, s9;
	s30 =	smul.u32 $0x3000, s30  }
0x23: {  	s16 =	sand.u32 $0x380, s16;
	s31 =	smul.u32 $0x3000, s31;
	s15 =	sand.u32 $0x380, s15  }
0x24: {  	s26 =	sand.u32 $0x380, s26;
	s11 =	smul.u32 $0x3000, s11;
	s0 =	sand.u32 $0x380, s18  }
0x25: {  	v0 =	vmov s4;
	s18 =	smul.u32 $0x3000, s17;
	s17 =	simm.s32 $0x8;
	s1 =	sor.u32 s4, s25  }
0x26: {  	s4 =	sand.u32 $0x380, s28;
	s2 =	sshra.s32 s2, $0x2;
	s3 =	sshra.s32 s3, $0x2;
	v6 =	vld [tilespmem:s1+$0x80]  }
0x27: {  	s10 =	sshra.s32 s10, $0x2;
	v4 =	vld [tilespmem:s1+$0x1A80];
	s28 =	sshra.s32 s31, $0x2;
	s5 =	sshra.s32 s29, $0x2  }
0x28: {  	v7 =	vld [tilespmem:s1+$0x3C80];
	s11 =	sshra.s32 s11, $0x2;
	s29 =	simm.s32 $0x2D;
	s2 =	sadd.s32 s2, s25  }
0x29: {  	v8 =	vld [tilespmem:s1+$0x5680];
	s31 =	simm.s32 $0x4;
	s10 =	sadd.s32 s10, s25;
	s8 =	sadd.s32 s6, s2  }
0x2a: {  	s3 =	sadd.s32 s3, s25;
	s28 =	sadd.s32 s28, s25;
	s9 =	sadd.s32 s9, s10;
	v3 =	vld.idx.msk [tilespmem:v0+s8+$0x0 ss:$0x1], $0xffff  }
0x2b: {  	s11 =	sadd.s32 s11, s25;
	s7 =	sadd.s32 s23, s3;
	s10 =	smul.u32 $0x3000, s24;
	v9 =	vld.idx.msk [tilespmem:v0+s9+$0x0 ss:$0x1], $0xffff  }
0x2c: {  	s13 =	sadd.s32 s15, s28;
	s15 =	sshra.s32 s30, $0x2;
	v15 =	vld.idx.msk [tilespmem:v0+s7+$0x0 ss:$0x1], $0xffff;
	s7 =	sadd.s32 s5, s25;
	v1 =	vmul.f32 $1.442695020e+00, v6  }
0x2d: {  	s6 =	simm.s32 $0x2;
	s7 =	sadd.s32 s16, s7;
	s16 =	sadd.s32 s15, s25;
	v2 =	vmul.f32 $1.442695020e+00, v4  }
0x2e: {  	s23 =	simm.s32 $0x3F;
	v17 =	vld.idx.msk [tilespmem:v0+s13+$0x0 ss:$0x1], $0xffff;
	s12 =	sshra.s32 s10, $0x2;
	s0 =	sadd.s32 s0, s16;
	(erf) = vpow2.f32 v1  }
0x2f: {  	s3 =	simm.s32 $0x16;
	s14 =	sadd.s32 s26, s11;
	s9 =	sadd.s32 s12, s25;
	v22 =	vld.idx.msk [tilespmem:v0+s0+$0x0 ss:$0x1], $0xffff;
	v1 =	vmul.f32 $1.442695020e+00, v7;
	(erf) = vpow2.f32 v2  }
0x30: {  	s2 =	simm.s32 $0x2A;
	s26 =	simm.s32 $0x5;
	v21 =	vld.idx.msk [tilespmem:v0+s14+$0x0 ss:$0x1], $0xffff;
	s8 =	sadd.s32 s4, s9;
	v2 =	vmul.f32 $1.442695020e+00, v8;
	v5 =	vmul.f32 $1.442695020e+00, v9  }
0x31: {  	s28 =	simm.s32 $0x19;
	s24 =	simm.s32 $0x3;
	s11 =	simm.s32 $0x3;
	v24 =	vld.idx.msk [tilespmem:v0+s8+$0x0 ss:$0x1], $0xffff;
	(erf) = vpow2.f32 v1;
	v1 =	vmul.f32 $1.442695020e+00, v3  }
0x32: {  	s30 =	simm.s32 $0x18;
	s5 =	simm.s32 $0xC80;
	s13 =	simm.s32 $0xC00;
	v16 =	vld.idx.msk [tilespmem:v0+s7+$0x0 ss:$0x1], $0xffff;
	(erf) = vpow2.f32 v2;
	v2 =	vmul.f32 $1.442695020e+00, v15  }
0x33: {  	s14 =	simm.s32 $0x5;
	s15 =	simm.s32 $0x3E;
	s10 =	simm.s32 $0x0;
	(erf) = vpow2.f32 v1;
	v1 =	vmul.f32 $1.442695020e+00, v17  }
0x34: {  	s7 =	sshra.s32 s18, $0x2;
	s12 =	simm.s32 $0x200;
	s0 =	smul.u32 $0x3000, s24;
	v11 =	vmul.f32 $1.442695020e+00, v22;
	(erf) = vpow2.f32 v2  }
0x35: {  	s18 =	simm.s32 $0x1600;
	s4 =	simm.s32 $0x280;
	s7 =	sadd.s32 s7, s25;
	v2 =	vmul.f32 $1.442695020e+00, v21;
	(erf) = vpow2.f32 v5  }
0x36: {  	s9 =	sand.u32 $0x380, s5;
	s24 =	simm.s32 $0x2000;
	s0 =	sshra.s32 s0, $0x2;
	v5 =	vmul.f32 $1.442695020e+00, v24;
	(erf) = vpow2.f32 v1  }
0x37: {  	s8 =	sand.u32 $0x380, s4;
	s4 =	sand.u32 $0x380, s18;
	s0 =	sadd.s32 s0, s25;
	v1 =	vmul.f32 $1.442695020e+00, v16;
	(erf) = vpow2.f32 v2  }
0x38: {  	s7 =	sadd.s32 s8, s7;
	s0 =	sadd.s32 s9, s0;
	s9 =	smul.u32 $0x3000, s10;
	v10 =	vpop (erf);
	(erf) = vpow2.f32 v5  }
0x39: {  	v19 =	vimm.s32 $0x29;
	s8 =	smul.u32 $0x3000, s11;
	s11 =	sand.u32 $0x380, s13;
	vm1 =	vgt.f32 v21, v7;
	s13 =	simm.s32 $0x1680;
	v12 =	vpop (erf);
	(erf) = vpow2.f32 v1  }
0x3a: {  	v18 =	vimm.s32 $0x15;
	v19 =	vsel vm1, s2, v19;
	s2 =	sand.u32 $0x380, s24;
	s9 =	sshra.s32 s9, $0x2;
	v2 =	vld.idx.msk [tilespmem:v0+s7+$0x0 ss:$0x1], $0xffff;
	s7 =	smul.u32 $0x3000, s14;
	v13 =	vpop (erf);
	(erf) = vpow2.f32 v11  }
0x3b: {  	v26 =	vimm.s32 $0x3D;
	vm0 =	vgt.f32 v9, v6;
	vm2 =	vgt.f32 v17, v4;
	s10 =	sand.u32 $0x380, s12;
	s8 =	sshra.s32 s8, $0x2;
	s16 =	sadd.s32 s9, s25;
	v11 =	vpop (erf)  }
0x3c: {  	v18 =	vsel vm2, s3, v18;
	v29 =	vsel vm0, v9, v6;
	v63 =	vsel vm1, v21, v7;
	s9 =	sadd.s32 s10, s16;
	s10 =	smul.u32 $0x3000, s17;
	s7 =	sshra.s32 s7, $0x2;
	v14 =	vpop (erf)  }
0x3d: {  	s12 =	simm.s32 $0x8;
	v17 =	vsel vm2, v17, v4;
	vm2 =	vgt.f32 v16, v63;
	vm4 =	vgt.f32 v24, v8;
	s5 =	sadd.s32 s7, s25;
	s7 =	simm.s32 $0x5;
	v25 =	vpop (erf)  }
0x3e: {  	s8 =	sadd.s32 s8, s25;
	vm1 =	vgt.f32 v15, v17;
	v24 =	vsel vm4, v24, v8;
	v5 =	vimm.s32 $0x1;
	s10 =	sshra.s32 s10, $0x2;
	v1 =	vld.idx.msk [tilespmem:v0+s0+$0x0 ss:$0x1], $0xffff;
	s3 =	smul.u32 $0x3000, s7;
	v20 =	vpop (erf)  }
0x3f: {  	v6 =	vld [tilespmem:s1+$0x0];
	s8 =	sadd.s32 s11, s8;
	v21 =	vsel vm4, s15, v26;
	vm3 =	vgt.f32 v22, v24;
	v5 =	vsel vm0, s6, v5;
	s6 =	sadd.s32 s4, s5;
	s7 =	sadd.s32 s10, s25;
	v27 =	vpop (erf)  }
0x40: {  	v17 =	vsel vm1, v15, v17;
	v15 =	vsel vm2, v16, v63;
	v9 =	vld.idx.msk [tilespmem:v0+s9+$0x0 ss:$0x1], $0xffff;
	v16 =	vsel vm3, v22, v24;
	s11 =	sadd.s32 s2, s7;
	s2 =	smul.u32 $0x3000, s12;
	s14 =	sshra.s32 s3, $0x2;
	v28 =	vpop (erf)  }
0x41: {  	s1 =	simm.s32 $0x2C;
	vm0 =	vgt.f32 v3, v29;
	s7 =	sand.u32 $0x380, s13;
	v4 =	vld.idx.msk [tilespmem:v0+s6+$0x0 ss:$0x1], $0xffff;
	s16 =	sadd.s32 s14, s25;
	v10 =	vadd.f32 v20, v10;
	v12 =	vadd.f32 v27, v12;
	v60 =	vpop (erf)  }
0x42: {  	s0 =	simm.s32 $0x2080;
	v23 =	vmul.f32 $1.442695020e+00, v2;
	v8 =	vld.idx.msk [tilespmem:v0+s11+$0x0 ss:$0x1], $0xffff;
	s2 =	sshra.s32 s2, $0x2;
	s17 =	sadd.s32 s7, s16;
	v13 =	vadd.f32 v28, v13;
	v27 =	vadd.f32 v60, v11;
	v61 =	vpop (erf)  }
0x43: {  	s15 =	simm.s32 $0x3;
	s18 =	sand.u32 $0x380, s0;
	v20 =	vmul.f32 $1.442695020e+00, v1;
	s24 =	sadd.s32 s2, s25;
	v7 =	vld.idx.msk [tilespmem:v0+s17+$0x0 ss:$0x1], $0xffff;
	v10 =	vadd.f32 v14, v10;
	v14 =	vadd.f32 v25, v12;
	v62 =	vpop (erf)  }
0x44: {  	s3 =	simm.s32 $0x41;
	s2 =	simm.s32 $0x40;
	s9 =	sadd.s32 s18, s24;
	v11 =	vsel vm0, v3, v29;
	v3 =	vld.idx.msk [tilespmem:v0+s8+$0x0 ss:$0x1], $0xffff;
	v12 =	vadd.f32 v61, v13;
	v13 =	vadd.f32 v62, v27  }
.LBB2_3:
0x45: {  	s7 =	sadd.s32 $0x4, s15;
	v18 =	vsel vm1, s21, v18;
	s21 =	smov.u32 s28  }
0x46: {  	v19 =	vsel vm2, s22, v19;
	v21 =	vsel vm3, s23, v21;
	s22 =	smov.u32 s29;
	s23 =	smov.u32 s3;
	s16 =	smov.u32 s1  }
0x47: {  	v22 =	vld.idx.msk [tilespmem:v0+s9+$0x0 ss:$0x1], $0xffff;
	s6 =	smov.u32 s2;
	s28 =	sadd.s32 $0x18, s15;
	v5 =	vsel vm0, s20, v5;
	s20 =	smov.u32 s26  }
0x48: {  	v24 =	vmul.f32 $1.442695020e+00, v9;
	s29 =	sadd.s32 $0x2C, s15;
	s0 =	sadd.s32 $0x100, s0;
	s1 =	sshrl.u32 s7, $0x3;
	(erf) = vpow2.f32 v23  }
0x49: {  	s2 =	sshrl.u32 s28, $0x3;
	v23 =	vmul.f32 $1.442695020e+00, v3;
	s26 =	smov.u32 s7;
	s1 =	smul.u32 $0x3000, s1;
	(erf) = vpow2.f32 v20  }
0x4a: {  	s8 =	sadd.s32 $0x17, s15;
	s3 =	sadd.s32 $0xFFFFE200, s0;
	s2 =	smul.u32 $0x3000, s2;
	v20 =	vmul.f32 $1.442695020e+00, v4;
	(erf) = vpow2.f32 v24  }
0x4b: {  	s7 =	sadd.s32 $0xFFFFEC00, s0;
	s11 =	sadd.s32 $0xFFFFE180, s0;
	v24 =	vmul.f32 $1.442695020e+00, v8;
	s1 =	sshra.s32 s1, $0x2;
	(erf) = vpow2.f32 v23  }
0x4c: {  	s3 =	sand.u32 $0x380, s3;
	s2 =	sshra.s32 s2, $0x2;
	v23 =	vmul.f32 $1.442695020e+00, v7;
	s1 =	sadd.s32 s1, s25;
	(erf) = vpow2.f32 v20  }
0x4d: {  	s2 =	sadd.s32 s2, s25;
	v20 =	vmul.f32 $1.442695020e+00, v22;
	s1 =	sadd.s32 s3, s1;
	s3 =	sand.u32 $0x380, s7;
	(erf) = vpow2.f32 v24  }
0x4e: {  	s7 =	sadd.s32 $0x3, s15;
	v24 =	vld.idx.msk [tilespmem:v0+s1+$0x0 ss:$0x1], $0xffff;
	s9 =	sadd.s32 s3, s2;
	s3 =	sadd.s32 $0x40, s15;
	(erf) = vpow2.f32 v23  }
0x4f: {  	s12 =	sadd.s32 $0xFFFFEB80, s0;
	s1 =	sadd.s32 $0x2B, s15;
	s2 =	sadd.s32 $0x3F, s15;
	v25 =	vld.idx.msk [tilespmem:v0+s9+$0x0 ss:$0x1], $0xffff;
	(erf) = vpow2.f32 v20  }
0x50: {  	s13 =	sadd.s32 $0xFFFFF580, s0;
	s10 =	sshrl.u32 s29, $0x3;
	s9 =	sadd.s32 $0xFFFFF600, s0  }
0x51: {  	s5 =	sadd.s32 $0xFFFFFF80, s0;
	s18 =	sshrl.u32 s8, $0x3;
	s17 =	smul.u32 $0x3000, s10;
	v26 =	vpop (erf)  }
0x52: {  	s18 =	smul.u32 $0x3000, s18;
	s4 =	sshrl.u32 s7, $0x3;
	s10 =	sshrl.u32 s3, $0x3;
	v27 =	vpop (erf)  }
0x53: {  	s11 =	sand.u32 $0x380, s11;
	s14 =	sshrl.u32 s1, $0x3;
	s10 =	smul.u32 $0x3000, s10;
	v20 =	vpop (erf)  }
0x54: {  	s4 =	smul.u32 $0x3000, s4;
	s24 =	sshrl.u32 s2, $0x3;
	s9 =	sand.u32 $0x380, s9;
	v10 =	vadd.f32 v20, v10;
	v28 =	vpop (erf)  }
0x55: {  	s12 =	sand.u32 $0x380, s12;
	s13 =	sand.u32 $0x380, s13;
	s5 =	sand.u32 $0x380, s5;
	v23 =	vmul.f32 $1.442695020e+00, v24;
	v20 =	vmul.f32 $1.442695020e+00, v25;
	v29 =	vpop (erf)  }
0x56: {  	vm0 =	vgt.f32 v9, v11;
	s17 =	sshra.s32 s17, $0x2;
	s18 =	sshra.s32 s18, $0x2;
	s14 =	smul.u32 $0x3000, s14;
	v14 =	vadd.f32 v28, v14;
	v10 =	vadd.f32 v26, v10;
	v26 =	vpop (erf)  }
0x57: {  	v9 =	vsel vm0, v9, v11;
	s15 =	sadd.s32 $0x2, s15;
	s24 =	smul.u32 $0x3000, s24;
	s4 =	sshra.s32 s4, $0x2;
	v12 =	vadd.f32 v29, v12;
	v13 =	vadd.f32 v26, v13;
	v26 =	vpop (erf)  }
0x58: {  	v5 =	vsel vm0, s31, v5;
	vm0 =	vgt.f32 v2, v9;
	p1 =	slt.u32 s15, $0x11;
	s4 =	sadd.s32 s4, s25;
	s14 =	sshra.s32 s14, $0x2;
	v14 =	vadd.f32 v27, v14;
	v27 =	vpop (erf)  }
0x59: {  	v11 =	vsel vm0, v2, v9;
	s4 =	sadd.s32 s11, s4;
	s11 =	sadd.s32 s18, s25;
	s18 =	sshra.s32 s24, $0x2;
	v2 =	vmovc v24;
	v12 =	vadd.f32 v26, v12;
	v13 =	vadd.f32 v27, v13  }
.Ltmp0:
0x5a: {  	vm4 =	vgt.f32 v3, v17;
	vm5 =	vgt.f32 v4, v15;
	vm6 =	vgt.f32 v8, v16;
	v9 =	vld.idx.msk [tilespmem:v0+s4+$0x0 ss:$0x1], $0xffff;
	s4 =	sadd.s32 s12, s11;
	s11 =	sadd.s32 s14, s25;
	(pc) =	sbr.rel @p1 .LBB2_3-.Ltmp0, $4  }
0x5b: {  	v17 =	vsel vm4, v3, v17;
	v15 =	vsel vm5, v4, v15;
	v16 =	vsel vm6, v8, v16;
	s12 =	sadd.s32 s18, s25;
	s11 =	sadd.s32 s13, s11;
	v3 =	vld.idx.msk [tilespmem:v0+s4+$0x0 ss:$0x1], $0xffff  }
0x5c: {  	vm1 =	vgt.f32 v1, v17;
	vm2 =	vgt.f32 v7, v15;
	vm3 =	vgt.f32 v22, v16;
	s10 =	sshra.s32 s10, $0x2;
	s4 =	sadd.s32 s5, s12;
	s5 =	sadd.s32 s17, s25;
	v4 =	vld.idx.msk [tilespmem:v0+s11+$0x0 ss:$0x1], $0xffff  }
0x5d: {  	v17 =	vsel vm1, v1, v17;
	v15 =	vsel vm2, v7, v15;
	v16 =	vsel vm3, v22, v16;
	v8 =	vld.idx.msk [tilespmem:v0+s4+$0x0 ss:$0x1], $0xffff;
	s4 =	sadd.s32 s9, s5;
	s5 =	sand.u32 $0x380, s0;
	s9 =	sadd.s32 s10, s25  }
0x5e: {  	v18 =	vsel vm4, s30, v18;
	s30 =	smov.u32 s8;
	v19 =	vsel vm5, s16, v19;
	v21 =	vsel vm6, s6, v21;
	s31 =	smov.u32 s7;
	v1 =	vmovc v25;
	v7 =	vld.idx.msk [tilespmem:v0+s4+$0x0 ss:$0x1], $0xffff;
	s9 =	sadd.s32 s5, s9  }
0x5f: {  	_ =	sdelay $0x2  }
0x60: {  	v22 =	vmul.f32 $1.442695020e+00, v9;
	(erf) = vpow2.f32 v23  }
0x61: {  	v0 =	vld.idx.msk [tilespmem:v0+s9+$0x0 ss:$0x1], $0xffff;
	s0 =	rddreg [dreg:$0x11];
	v57 =	vmul.f32 $1.442695020e+00, v3;
	(erf) = vpow2.f32 v20  }
0x62: {  	s0 =	sadd.s32 s0, s25;
	(erf) = vpow2.f32 v22;
	v58 =	vmul.f32 $1.442695020e+00, v4  }
0x63: {  	v62 =	vld [tilespmem:s0+$0x1A00];
	(erf) = vpow2.f32 v57  }
0x64: {  	v63 =	vld [tilespmem:s0+$0x3C00];
	v59 =	vmul.f32 $1.442695020e+00, v8;
	(erf) = vpow2.f32 v58  }
0x65: {  	v6 =	vmul.f32 $1.442695020e+00, v6;
	v32 =	vld [tilespmem:s0+$0x5600];
	v60 =	vmul.f32 $1.442695020e+00, v7  }
0x66: {  	vm4 =	vgt.f32 v9, v11;
	v25 =	vld [tilespmem:s0+$0x7800];
	v61 =	vmul.f32 $1.442695020e+00, v0;
	(erf) = vpow2.f32 v59  }
0x67: {  	v29 =	vimm.s32 $0x0;
	v45 =	vimm.s32 $0x0;
	(erf) = vpow2.f32 v60  }
0x68: {  	v29 =	vsel vm4, $0xFFFFFFFF, v29;
	(erf) = vpow2.f32 v61;
	v28 =	vmul.f32 $1.442695020e+00, v62  }
0x69: {  	v9 =	vsel vm4, v9, v11;
	v34 =	vmul.f32 $1.442695020e+00, v63;
	v24 =	vpop (erf);
	(erf) = vpow2.f32 v6  }
0x6a: {  	vm15 =	vgt.f32 v3, v17;
	v35 =	vmul.f32 $1.442695020e+00, v32;
	v26 =	vpop (erf);
	(erf) = vpow2.f32 v28  }
0x6b: {  	vm4 =	vgt.f32 v2, v9;
	v37 =	vmul.f32 $1.442695020e+00, v25;
	v27 =	vpop (erf);
	(erf) = vpow2.f32 v34  }
0x6c: {  	v11 =	vsel vm15, $0xFFFFFFFF, v45;
	vm7 =	vgt.f32 v4, v15;
	v33 =	vpop (erf);
	(erf) = vpow2.f32 v35  }
0x6d: {  	v3 =	vsel vm15, v3, v17;
	vm8 =	vgt.f32 v8, v16;
	v36 =	vpop (erf);
	(erf) = vpow2.f32 v37  }
0x6e: {  	v2 =	vsel vm4, v2, v9;
	v4 =	vsel vm7, v4, v15;
	v8 =	vsel vm8, v8, v16  }
0x6f: {  	vm10 =	vgt.f32 v1, v3;
	vm11 =	vgt.f32 v7, v4;
	vm9 =	vgt.f32 v0, v8;
	v39 =	vpop (erf)  }
0x70: {  	v1 =	vsel vm10, v1, v3;
	v4 =	vsel vm11, v7, v4;
	v0 =	vsel vm9, v0, v8;
	v40 =	vpop (erf)  }
0x71: {  	vm12 =	vgt.f32 v62, v2;
	vm13 =	vgt.f32 v63, v1;
	vm14 =	vgt.f32 v32, v4;
	v43 =	vpop (erf)  }
0x72: {  	vm15 =	vgt.f32 v25, v0;
	v10 =	vadd.f32 v27, v10;
	v14 =	vadd.f32 v33, v14;
	v46 =	vpop (erf)  }
0x73: {  	v2 =	vsel vm12, v62, v2;
	v38 =	vadd.f32 v36, v12;
	v12 =	vadd.f32 v39, v13;
	v47 =	vpop (erf)  }
0x74: {  	v1 =	vsel vm13, v63, v1;
	v10 =	vadd.f32 v24, v10;
	v42 =	vadd.f32 v26, v14;
	v48 =	vpop (erf)  }
0x75: {  	v4 =	vsel vm14, v32, v4;
	v6 =	vadd.f32 v40, v38;
	v44 =	vadd.f32 v43, v12;
	v49 =	vpop (erf)  }
0x76: {  	v0 =	vsel vm15, v25, v0;
	v7 =	vadd.f32 v47, v10;
	v8 =	vadd.f32 v48, v42;
	v50 =	vpop (erf)  }
0x77: {  	vm6 =	vgt.f32 v1, v2;
	v6 =	vadd.f32 v49, v6;
	v9 =	vadd.f32 v50, v44  }
0x78: {  	v41 =	vimm.s32 $0x0;
	vm5 =	vgt.f32 v0, v4;
	v1 =	vsel vm6, v1, v2  }
0x79: {  	v0 =	vsel vm5, v0, v4;
	v51 =	vadd.f32 v8, v7;
	v52 =	vadd.f32 v9, v6  }
0x7a: {  	v13 =	vsel vm4, $0xFFFFFFFF, v41;
	vm4 =	vgt.f32 v0, v1  }
0x7b: {  	v0 =	vsel vm4, v0, v1;
	v53 =	vadd.f32 v52, v51  }
0x7c: {  	v0 =	vmul.f32 $1.442695020e+00, v0  }
0x7d: {  	[tilespmem:$0x1FFD0] =	vst v29;
	v1 =	vadd.f32 v53, v46  }
0x7e: {  	[tilespmem:$0x1FFE0] =	vst v11;
	v58 =	vld [tilespmem:$0x1FFD0];
	(erf) = vpow2.f32 v0  }
0x7f: {  	v59 =	vld [tilespmem:$0x1FFE0];
	[tilespmem:$0x1FFF0] =	vst v13;
	(erf) = vrcp.f32 v1  }
0x80: {  	v60 =	vld [tilespmem:$0x1FFF0]  }
0x81: {  	v57 =	vsel vm3, s23, v21  }
0x82: {  	v54 =	vsel vm1, s21, v18;
	v55 =	vsel vm0, s20, v5;
	v3 =	vsel vm8, s2, v57  }
0x83: {  	v56 =	vsel vm2, s22, v19;
	v3 =	vsel vm9, s3, v3;
	vm0 =	vnez.u8 v58  }
0x84: {  	v2 =	vsel vm7, s1, v56;
	v1 =	vsel vm0, s31, v55;
	vm0 =	vnez.u8 v59  }
0x85: {  	v2 =	vsel vm11, s29, v2;
	vm11 =	vnez.u8 v60;
	s31 =	rddreg [dreg:$0xf];
	v0 =	vsel vm0, s30, v54  }
0x86: {  	v3 =	vsel vm15, $0x50, v3;
	v1 =	vsel vm11, s26, v1;
	p1 =	slt.s32 s19, s31;
	v0 =	vsel vm10, s28, v0  }
.Ltmp1:
0x87: {  	v2 =	vsel vm14, $0x3C, v2;
	v61 =	vpop (erf);
	v1 =	vsel vm12, $0x14, v1;
	v0 =	vsel vm13, $0x28, v0;
	(pc) =	sbr.rel @p1 .LBB2_2-.Ltmp1, $4  }
0x88: {  	v63 =	vsel vm5, v3, v2;
	v0 =	vsel vm6, v0, v1;
	v62 =	vpop (erf)  }
0x89: {  	v0 =	vsel vm4, v63, v0;
	v4 =	vmul.f32 v61, v62  }
0x8a: {  	s30 =	sadd.s32 $0x10, s19;
	[tilespmem:s19+$0x8580] =	vst v0  }
0x8b: {  	[tilespmem:s19+$0x8400] =	vst v4;
	s19 =	smov.u32 s30  }
0x8c: {  	s0 =	rddreg [dreg:$0x8]  }
0x8d: {  	s10 =	simm.s32 $0x0;
	s1 =	rddreg [dreg:$0x9];
	s5 =	simm.s32 $0x1  }
0x8e: {  	[hbm4b:s0+s10] =	stream.linear.scatter [tilespmem:s1], [sflag:$0x1], $0xA0, $0x38;
	[tilespmem:$0x8800] =	vst v63  }
0x8f: {  	_ =	swait.ge [sflag:s5], $0xA0  }
0x90: {  	[sflag:s5] =	ssyncset.done $0x0;
	s28 =	rddreg [dreg:$0xa]  }
0x91: {  	s29 =	rddreg [dreg:$0xb];
	[sflag:s5] =	ssyncadd.s32 $0xFFFFFF60  }
0x92: {  	[hbm4b:s28+s10] =	stream.linear.scatter [tilespmem:s29], [sflag:$0x1], $0xA0, $0x38;
	[tilespmem:$0x8800] =	vst v63  }
0x93: {  	_ =	swait.ge [sflag:s5], $0xA0  }
0x94: {  	[sflag:s5] =	ssyncset.done $0x0  }
0x95: {  	[sflag:s5] =	ssyncadd.s32 $0xFFFFFF60  }
0x96: {  	s0 =	simm.s32 @p0 $0x0;
	s1 =	simm.s32 @p0 $0x8700;
	s2 =	rddreg [dreg:$0x1]  }
0x97: {  	[tilespmem:s1], [sflag:$0x1] =	stream.linear.gather @p0 [hbm4b:s2+s0], $0x80, $0x38;
	[tilespmem:$0x8800] =	vst v63  }
0x98: {  	s2 =	simm.s32 @p0 $0x1  }
0x99: {  	_ =	swait.ge @p0 [sflag:s2], $0x80  }
0x9a: {  	[sflag:s2] =	ssyncset.done @p0 $0x0  }
0x9b: {  	[sflag:s2] =	ssyncadd.s32 @p0 $0xFFFFFF80  }
0x9c: {  	s3 =	simm.s32 @p0 $0x8780;
	s4 =	rddreg [dreg:$0x2]  }
0x9d: {  	[tilespmem:s3], [sflag:$0x1] =	stream.linear.gather @p0 [hbm4b:s4+s0], $0x80, $0x38;
	[tilespmem:$0x8800] =	vst v63  }
0x9e: {  	_ =	swait.ge @p0 [sflag:s2], $0x80  }
0x9f: {  	[sflag:s2] =	ssyncset.done @p0 $0x0  }
0xa0: {  	s4 =	rddreg [dreg:$0xc];
	[sflag:s2] =	ssyncadd.s32 @p0 $0xFFFFFF80  }
0xa1: {  	[hbm4b:s4+s0] =	stream.linear.scatter @p0 [tilespmem:s1], [sflag:$0x1], $0x8, $0x38;
	[tilespmem:$0x8800] =	vst v63  }
0xa2: {  	_ =	swait.ge @p0 [sflag:s2], $0x8  }
0xa3: {  	[sflag:s2] =	ssyncset.done @p0 $0x0  }
0xa4: {  	s1 =	rddreg [dreg:$0xd];
	[sflag:s2] =	ssyncadd.s32 @p0 $0xFFFFFFF8  }
0xa5: {  	[hbm4b:s1+s0] =	stream.linear.scatter @p0 [tilespmem:s3], [sflag:$0x1], $0x8, $0x38;
	[tilespmem:$0x8800] =	vst v63  }
0xa6: {  	_ =	swait.ge @p0 [sflag:s2], $0x8  }
0xa7: {  	s30 =	rddreg [dreg:$0x10]  }
0xa8: {  	s31 =	rddreg [dreg:$0xe];
	s1 =	sadd.s32 $0x1, s30  }
0xa9: {  	p1 =	sne.s32 s1, s31  }
.Ltmp2:
0xaa: {  	_ = 	snop;
	(pc) =	sbr.rel @p1 .LBB2_1-.Ltmp2, $3  }
0xab: {  	_ =	sdelay $0x1  }
0xac: {  	[sflag:s2] =	ssyncset.done @p0 $0x0  }
0xad: {  	[sflag:s2] =	ssyncadd.s32 @p0 $0xFFFFFFF8  }
0xae: {  	_ =	sfence.sel $0x180000  }
0xaf: {  	[bflag:$0x0] =	sbarrier.arrive $0xFFFF  }
0xb0: {  	_ =	strace $0x90000047  }
0xb1: {  	s0 =	stileid.u32;
	[bflag:$0x2] =	sbarrier.arrive $0xFFFF  }
0xb2: {  	p0 =	sne.s32 s0, $0x0;
	s0 =	rddreg [dreg:$0x5]  }
0xb3: {  	s0 =	sadd.s32 @!p0 $0x100000, s0  }
0xb4: {  	[sflag:s0] =	ssyncadd.tile.s32 @!p0 $0x1;
	_ =	shalt  }
.Lfunc_end2:
_tile_overlayer_lowered:
.L_overlay_start_2:
0xb5: {  	(tag) =	ssettag $0x2  }
0xb6: {  	s0 =	rddreg [dreg:$0x0];
	s2 =	stileid.u32  }
0xb7: {  	s1 =	rddreg [dreg:$0x1];
	p0 =	sne.s32 s2, $0x0  }
0xb8: {  	s3 =	rddreg [dreg:$0x2];
	[bflag:$0x3] =	sbarrier.arrive $0xFFFF;
	s2 =	simm.s32 @!p0 $0x1C01  }
0xb9: {  	[timem:s3], [sflag:s2] =	dma.local @!p0 [hbm:s0], s1  }
0xba: {  	s0 =	simm.s32 @!p0 $0x1  }
0xbb: {  	_ =	swait.ge @!p0 [sflag:s0], s1  }
0xbc: {  	s1 =	ssub.s32 @!p0 $0x0, s1;
	[sflag:s0] =	ssyncset.done @!p0 $0x0  }
0xbd: {  	[sflag:s0] =	ssyncadd.s32 @!p0 s1  }
0xbe: {  	[bflag:$0x3] =	sbarrier.arrive $0xFFFF  }
0xbf: {  	_ =	shalt  }

</sc_bundles>
